<compile_context>
chip_gen: v7x
topology: tpu7x:2x2x1
jax: 0.10.2.dev20260603
libtpu: 0.0.44.dev20260713+nightly
codegen_flags: <defaults>
</compile_context>

<pallas_src>
import functools

import jax
import jax.numpy as jnp
from jax import lax
from jax.experimental import pallas as pl
from jax.experimental.pallas import tpu as pltpu
from jax.experimental.pallas import tpu_sc as plsc

N_NODES = 10000
N_EDGES = 320000
D = 128
N_RADIAL = 16
VOCAB_PAD = 128

EDGE_BLOCK = 2560
N_BLOCKS = N_EDGES // EDGE_BLOCK

_UNROLL = 5


def _sc_zgather(z, idx_i, idx_j):
    info = plsc.get_sparse_core_info()
    nc, ns, nl = info.num_cores, info.num_subcores, info.num_lanes
    nw = nc * ns
    per_w = N_EDGES // nw
    steps = per_w // (nl * _UNROLL)
    mesh = plsc.VectorSubcoreMesh(core_axis_name="c", subcore_axis_name="s")

    @functools.partial(
        pl.kernel,
        mesh=mesh,
        out_type=[
            jax.ShapeDtypeStruct((N_EDGES,), jnp.int32),
            jax.ShapeDtypeStruct((N_EDGES,), jnp.int32),
        ],
        scratch_types=[
            pltpu.VMEM((N_NODES,), jnp.int32),
            pltpu.VMEM((per_w,), jnp.int32),
            pltpu.VMEM((per_w,), jnp.int32),
        ],
        compiler_params=pltpu.CompilerParams(needs_layout_passes=False),
    )
    def k(z_hbm, ii_hbm, jj_hbm, zi_hbm, zj_hbm, z_v, idx_v, out_v):
        wid = lax.axis_index("s") * nc + lax.axis_index("c")
        base = wid * per_w
        pltpu.sync_copy(z_hbm, z_v)

        def run(src_hbm, dst_hbm):
            pltpu.sync_copy(src_hbm.at[pl.ds(base, per_w)], idx_v)

            def body(i, _):
                off = i * (nl * _UNROLL)
                for u in range(_UNROLL):
                    iv = idx_v[pl.ds(off + u * nl, nl)]
                    out_v[pl.ds(off + u * nl, nl)] = plsc.load_gather(z_v, [iv])
                return 0

            lax.fori_loop(0, steps, body, 0)
            pltpu.sync_copy(out_v, dst_hbm.at[pl.ds(base, per_w)])

        run(ii_hbm, zi_hbm)
        run(jj_hbm, zj_hbm)

    return k(z, idx_i, idx_j)


def _fold_body(nt_ref, we_ref, wr_ref, a_ref, b_ref, wc_ref):
    nt = nt_ref[...]
    a_ref[...] = jnp.dot(
        nt, we_ref[0:D, :], preferred_element_type=jnp.float32
    ).astype(jnp.bfloat16)
    b_ref[...] = jnp.dot(
        nt, we_ref[D : 2 * D, :], preferred_element_type=jnp.float32
    ).astype(jnp.bfloat16)
    wc_ref[...] = jnp.dot(
        wr_ref[...], we_ref[2 * D : 2 * D + D, :], preferred_element_type=jnp.float32
    )


def _fold_weights(nt_pad, W_edge, W_rbf):
    return pl.pallas_call(
        _fold_body,
        out_shape=[
            jax.ShapeDtypeStruct((VOCAB_PAD, D), jnp.bfloat16),
            jax.ShapeDtypeStruct((VOCAB_PAD, D), jnp.bfloat16),
            jax.ShapeDtypeStruct((N_RADIAL, D), jnp.float32),
        ],
    )(nt_pad, W_edge, W_rbf)


_CHUNKS = EDGE_BLOCK // 128


def _mlp_body(zi_ref, zj_ref, rbf_ref, a_ref, b_ref, wc_ref, bias_ref, out_ref):
    sub = lax.broadcasted_iota(jnp.int32, (VOCAB_PAD, 128), 0)
    zi = zi_ref[0]
    zj = zj_ref[0]
    a = a_ref[...]
    b = b_ref[...]
    dn = (((0,), (0,)), ((), ()))
    acc = jnp.dot(rbf_ref[...], wc_ref[...], preferred_element_type=jnp.float32)
    acc += bias_ref[...]
    parts = []
    for g in range(_CHUNKS):
        ohtj = (zj[g : g + 1, :] == sub).astype(jnp.bfloat16)
        ohti = (zi[g : g + 1, :] == sub).astype(jnp.bfloat16)
        part = lax.dot_general(ohtj, a, dn, preferred_element_type=jnp.float32)
        part += lax.dot_general(ohti, b, dn, preferred_element_type=jnp.float32)
        parts.append(part)
    acc += jnp.concatenate(parts, axis=0)
    out_ref[...] = acc * (1.0 / (1.0 + jnp.exp(-acc)))


def _edge_mlp(zi, zj, rbf, A, B, Wc, bias):
    return pl.pallas_call(
        _mlp_body,
        grid=(N_BLOCKS,),
        in_specs=[
            pl.BlockSpec((1, EDGE_BLOCK // 128, 128), lambda i: (i, 0, 0)),
            pl.BlockSpec((1, EDGE_BLOCK // 128, 128), lambda i: (i, 0, 0)),
            pl.BlockSpec((EDGE_BLOCK, N_RADIAL), lambda i: (i, 0)),
            pl.BlockSpec((VOCAB_PAD, D), lambda i: (0, 0)),
            pl.BlockSpec((VOCAB_PAD, D), lambda i: (0, 0)),
            pl.BlockSpec((N_RADIAL, D), lambda i: (0, 0)),
            pl.BlockSpec((1, D), lambda i: (0, 0)),
        ],
        out_specs=pl.BlockSpec((EDGE_BLOCK, D), lambda i: (i, 0)),
        out_shape=jax.ShapeDtypeStruct((N_EDGES, D), jnp.float32),
    )(zi, zj, rbf, A, B, Wc, bias)


def kernel(z, rbf, idx_i, idx_j, node_table, W_rbf, W_edge, b_edge):
    nt_pad = jnp.zeros((VOCAB_PAD, D), jnp.float32).at[: node_table.shape[0]].set(
        node_table
    )
    A, B, Wc = _fold_weights(nt_pad, W_edge, W_rbf)
    zi, zj = _sc_zgather(
        z.astype(jnp.int32), idx_i.astype(jnp.int32), idx_j.astype(jnp.int32)
    )
    out = _edge_mlp(
        zi.reshape(N_BLOCKS, EDGE_BLOCK // 128, 128),
        zj.reshape(N_BLOCKS, EDGE_BLOCK // 128, 128),
        rbf,
        A,
        B,
        Wc,
        b_edge.reshape(1, D),
    )
    return out

# --- scband reference (transcript-rebuilt; emitter-appended) ---
"""Pipeline reference for scband-edge-embed-32847909879961 (READ-ONLY COPY).

The authoritative reference and input builder live on the scoring server;
editing this copy changes nothing except your own understanding.
"""

import jax, jax.numpy as jnp
import numpy as np

N_NODES = 10000
N_EDGES = 320000
NODE_DIM = 128
EDGE_DIM = 128
N_RADIAL = 16
MAX_Z = 100


def setup_inputs(seed: int = 0) -> dict:
    key = jax.random.key(seed)
    ks = jax.random.split(key, 8)
    z = jax.random.randint(ks[0], (N_NODES,), 0, MAX_Z)
    rbf = jax.random.normal(ks[1], (N_EDGES, N_RADIAL), dtype=jnp.float32)
    idx_i = jax.random.randint(ks[2], (N_EDGES,), 0, N_NODES)
    idx_j = jax.random.randint(ks[3], (N_EDGES,), 0, N_NODES)
    # learned parameters
    node_table = jax.random.normal(ks[4], (MAX_Z, NODE_DIM), dtype=jnp.float32) * 0.02
    W_rbf = jax.random.normal(ks[5], (N_RADIAL, EDGE_DIM), dtype=jnp.float32) * (1.0 / np.sqrt(N_RADIAL))
    W_edge = jax.random.normal(ks[6], (2 * NODE_DIM + EDGE_DIM, EDGE_DIM), dtype=jnp.float32) * (1.0 / np.sqrt(2 * NODE_DIM + EDGE_DIM))
    b_edge = jnp.zeros((EDGE_DIM,), dtype=jnp.float32)
    return {
        "z": z,
        "rbf": rbf,
        "idx_i": idx_i,
        "idx_j": idx_j,
        "node_table": node_table,
        "W_rbf": W_rbf,
        "W_edge": W_edge,
        "b_edge": b_edge,
    }


def reference(z, rbf, idx_i, idx_j, node_table, W_rbf, W_edge, b_edge):
    # node_embed: atomic number -> node embedding (embedding lookup)
    z_emb = jnp.take(node_table, z, axis=0)                 # (N_NODES, NODE_DIM)
    # rbf_lin: Dense without bias
    rbf_proj = rbf @ W_rbf                                   # (N_EDGES, EDGE_DIM)
    # gather endpoint node embeddings per edge and concat
    h = jnp.concatenate([z_emb[idx_j], z_emb[idx_i], rbf_proj], axis=-1)  # (N_EDGES, 2*NODE_DIM+EDGE_DIM)
    # edge_embed: Dense(bias=True) followed by swish activation
    out = h @ W_edge + b_edge
    out = jax.nn.silu(out)                                   # swish
    return out

if __name__ == "__main__":
    import jax
    _d = setup_inputs()
    print(jax.jit(kernel)(*tuple(_d.values())))

</pallas_src>

<mosaic_0001>
#map = affine_map<(d0, d1) -> (0)>
module attributes {stable_mosaic.version = 14 : i64} {
  func.func @k(%arg0: i32, %arg1: i32, %arg2: memref<10000xi32, #tpu.memory_space<hbm>>, %arg3: memref<320000xi32, #tpu.memory_space<hbm>>, %arg4: memref<320000xi32, #tpu.memory_space<hbm>>, %arg5: memref<320000xi32, #tpu.memory_space<hbm>>, %arg6: memref<320000xi32, #tpu.memory_space<hbm>>, %arg7: memref<10000xi32, #tpu.memory_space<vmem>>, %arg8: memref<10000xi32, #tpu.memory_space<vmem>>, %arg9: memref<10000xi32, #tpu.memory_space<vmem>>) attributes {dimension_semantics = [#tpu.dimension_semantics<core_parallel>, #tpu.dimension_semantics<subcore_parallel>], iteration_bounds = array<i64: 2, 16>, scalar_prefetch = 0 : i64, scratch_operands = 3 : i64, tpu.core_type = #tpu.core_type<sc_vector_subcore>, window_params = [{transform_indices = #map}, {transform_indices = #map}, {transform_indices = #map}, {transform_indices = #map}, {transform_indices = #map}]} {
    %mul3A = arith.constant 2 : i32
    %mul3A_0 = arith.muli %arg1, %mul3A : i32
    %add3A = arith.addi %mul3A_0, %arg0 : i32
    %mul3A_1 = arith.constant 10000 : i32
    %mul3A_2 = arith.muli %add3A, %mul3A_1 : i32
    "tpu.region"() ({
      %run_scoped3A = tpu.sem_alloc : memref<!tpu.dma_semaphore, #tpu.memory_space<semaphore_mem>>
      tpu.enqueue_dma source(%arg2 : memref<10000xi32, #tpu.memory_space<hbm>>) target(%arg7 : memref<10000xi32, #tpu.memory_space<vmem>>) target_semaphore(%run_scoped3A : memref<!tpu.dma_semaphore, #tpu.memory_space<semaphore_mem>>)
      tpu.wait_dma2 semaphore(%run_scoped3A : memref<!tpu.dma_semaphore, #tpu.memory_space<semaphore_mem>>) src(%arg2 : memref<10000xi32, #tpu.memory_space<hbm>>) dst(%arg7 : memref<10000xi32, #tpu.memory_space<vmem>>)
      tpu.yield
    }) : () -> ()
    "tpu.region"() ({
      %run_scoped3A = tpu.sem_alloc : memref<!tpu.dma_semaphore, #tpu.memory_space<semaphore_mem>>
      %dma_start3A = tpu.memref_slice %arg3[%mul3A_2] : memref<320000xi32, #tpu.memory_space<hbm>> -> memref<10000xi32, #tpu.memory_space<hbm>>
      %dma_start3A_16 = tpu.memref_slice %arg3[%mul3A_2] : memref<320000xi32, #tpu.memory_space<hbm>> -> memref<10000xi32, #tpu.memory_space<hbm>>
      tpu.enqueue_dma source(%dma_start3A_16 : memref<10000xi32, #tpu.memory_space<hbm>>) target(%arg8 : memref<10000xi32, #tpu.memory_space<vmem>>) target_semaphore(%run_scoped3A : memref<!tpu.dma_semaphore, #tpu.memory_space<semaphore_mem>>)
      %dma_wait3A = tpu.memref_slice %arg3[%mul3A_2] : memref<320000xi32, #tpu.memory_space<hbm>> -> memref<10000xi32, #tpu.memory_space<hbm>>
      %dma_wait3A_17 = tpu.memref_slice %arg3[%mul3A_2] : memref<320000xi32, #tpu.memory_space<hbm>> -> memref<10000xi32, #tpu.memory_space<hbm>>
      tpu.wait_dma2 semaphore(%run_scoped3A : memref<!tpu.dma_semaphore, #tpu.memory_space<semaphore_mem>>) src(%dma_wait3A_17 : memref<10000xi32, #tpu.memory_space<hbm>>) dst(%arg8 : memref<10000xi32, #tpu.memory_space<vmem>>)
      tpu.yield
    }) : () -> ()
    %scan3A = arith.constant 0 : i32
    %scan3A_3 = arith.constant 0 : i32
    %scan3A_4 = arith.constant 125 : i32
    %scan3A_5 = arith.addi %scan3A_3, %scan3A_4 : i32
    %scan3A_6 = arith.constant 1 : i32
    %scan3A_7 = scf.for %scan3A_16 = %scan3A_3 to %scan3A_5 step %scan3A_6 iter_args(%scan3A_17 = %scan3A) -> (i32)  : i32 {
      %mul3A_18 = arith.constant 80 : i32
      %mul3A_19 = arith.muli %scan3A_16, %mul3A_18 : i32
      %add3A_20 = arith.constant 0 : i32
      %add3A_21 = arith.addi %mul3A_19, %add3A_20 : i32
      %get3A = arith.index_cast %add3A_21 : i32 to index
      %get3A_22 = tpu.vector_load %arg8[%get3A] {strides = array<i32>} : memref<10000xi32, #tpu.memory_space<vmem>>, vector<16xi32>,
      %gather3A = tpu.vector_load_idx %arg7[%get3A_22] : memref<10000xi32, #tpu.memory_space<vmem>>[vector<16xi32>], vector<16xi32>,
      %add3A_23 = arith.constant 0 : i32
      %add3A_24 = arith.addi %mul3A_19, %add3A_23 : i32
      %swap3A = arith.index_cast %add3A_24 : i32 to index
      %swap3A_25 = tpu.vector_load %arg9[%swap3A] {strides = array<i32>} : memref<10000xi32, #tpu.memory_space<vmem>>, vector<16xi32>,
      tpu.vector_store %arg9[%swap3A], %gather3A {strides = array<i32>} : memref<10000xi32, #tpu.memory_space<vmem>>, vector<16xi32>,
      %add3A_26 = arith.constant 16 : i32
      %add3A_27 = arith.addi %mul3A_19, %add3A_26 : i32
      %get3A_28 = arith.index_cast %add3A_27 : i32 to index
      %get3A_29 = tpu.vector_load %arg8[%get3A_28] {strides = array<i32>} : memref<10000xi32, #tpu.memory_space<vmem>>, vector<16xi32>,
      %gather3A_30 = tpu.vector_load_idx %arg7[%get3A_29] : memref<10000xi32, #tpu.memory_space<vmem>>[vector<16xi32>], vector<16xi32>,
      %add3A_31 = arith.constant 16 : i32
      %add3A_32 = arith.addi %mul3A_19, %add3A_31 : i32
      %swap3A_33 = arith.index_cast %add3A_32 : i32 to index
      %swap3A_34 = tpu.vector_load %arg9[%swap3A_33] {strides = array<i32>} : memref<10000xi32, #tpu.memory_space<vmem>>, vector<16xi32>,
      tpu.vector_store %arg9[%swap3A_33], %gather3A_30 {strides = array<i32>} : memref<10000xi32, #tpu.memory_space<vmem>>, vector<16xi32>,
      %add3A_35 = arith.constant 32 : i32
      %add3A_36 = arith.addi %mul3A_19, %add3A_35 : i32
      %get3A_37 = arith.index_cast %add3A_36 : i32 to index
      %get3A_38 = tpu.vector_load %arg8[%get3A_37] {strides = array<i32>} : memref<10000xi32, #tpu.memory_space<vmem>>, vector<16xi32>,
      %gather3A_39 = tpu.vector_load_idx %arg7[%get3A_38] : memref<10000xi32, #tpu.memory_space<vmem>>[vector<16xi32>], vector<16xi32>,
      %add3A_40 = arith.constant 32 : i32
      %add3A_41 = arith.addi %mul3A_19, %add3A_40 : i32
      %swap3A_42 = arith.index_cast %add3A_41 : i32 to index
      %swap3A_43 = tpu.vector_load %arg9[%swap3A_42] {strides = array<i32>} : memref<10000xi32, #tpu.memory_space<vmem>>, vector<16xi32>,
      tpu.vector_store %arg9[%swap3A_42], %gather3A_39 {strides = array<i32>} : memref<10000xi32, #tpu.memory_space<vmem>>, vector<16xi32>,
      %add3A_44 = arith.constant 48 : i32
      %add3A_45 = arith.addi %mul3A_19, %add3A_44 : i32
      %get3A_46 = arith.index_cast %add3A_45 : i32 to index
      %get3A_47 = tpu.vector_load %arg8[%get3A_46] {strides = array<i32>} : memref<10000xi32, #tpu.memory_space<vmem>>, vector<16xi32>,
      %gather3A_48 = tpu.vector_load_idx %arg7[%get3A_47] : memref<10000xi32, #tpu.memory_space<vmem>>[vector<16xi32>], vector<16xi32>,
      %add3A_49 = arith.constant 48 : i32
      %add3A_50 = arith.addi %mul3A_19, %add3A_49 : i32
      %swap3A_51 = arith.index_cast %add3A_50 : i32 to index
      %swap3A_52 = tpu.vector_load %arg9[%swap3A_51] {strides = array<i32>} : memref<10000xi32, #tpu.memory_space<vmem>>, vector<16xi32>,
      tpu.vector_store %arg9[%swap3A_51], %gather3A_48 {strides = array<i32>} : memref<10000xi32, #tpu.memory_space<vmem>>, vector<16xi32>,
      %add3A_53 = arith.constant 64 : i32
      %add3A_54 = arith.addi %mul3A_19, %add3A_53 : i32
      %get3A_55 = arith.index_cast %add3A_54 : i32 to index
      %get3A_56 = tpu.vector_load %arg8[%get3A_55] {strides = array<i32>} : memref<10000xi32, #tpu.memory_space<vmem>>, vector<16xi32>,
      %gather3A_57 = tpu.vector_load_idx %arg7[%get3A_56] : memref<10000xi32, #tpu.memory_space<vmem>>[vector<16xi32>], vector<16xi32>,
      %add3A_58 = arith.constant 64 : i32
      %add3A_59 = arith.addi %mul3A_19, %add3A_58 : i32
      %swap3A_60 = arith.index_cast %add3A_59 : i32 to index
      %swap3A_61 = tpu.vector_load %arg9[%swap3A_60] {strides = array<i32>} : memref<10000xi32, #tpu.memory_space<vmem>>, vector<16xi32>,
      tpu.vector_store %arg9[%swap3A_60], %gather3A_57 {strides = array<i32>} : memref<10000xi32, #tpu.memory_space<vmem>>, vector<16xi32>,
      %scan3A_62 = arith.constant 0 : i32
      scf.yield %scan3A_62 : i32
    }
    %scan3A_8 = arith.constant 125 : i32
    "tpu.region"() ({
      %run_scoped3A = tpu.sem_alloc : memref<!tpu.dma_semaphore, #tpu.memory_space<semaphore_mem>>
      %dma_start3A = tpu.memref_slice %arg5[%mul3A_2] : memref<320000xi32, #tpu.memory_space<hbm>> -> memref<10000xi32, #tpu.memory_space<hbm>>
      %dma_start3A_16 = tpu.memref_slice %arg5[%mul3A_2] : memref<320000xi32, #tpu.memory_space<hbm>> -> memref<10000xi32, #tpu.memory_space<hbm>>
      tpu.enqueue_dma source(%arg9 : memref<10000xi32, #tpu.memory_space<vmem>>) target(%dma_start3A_16 : memref<10000xi32, #tpu.memory_space<hbm>>) target_semaphore(%run_scoped3A : memref<!tpu.dma_semaphore, #tpu.memory_space<semaphore_mem>>)
      %dma_wait3A = tpu.memref_slice %arg5[%mul3A_2] : memref<320000xi32, #tpu.memory_space<hbm>> -> memref<10000xi32, #tpu.memory_space<hbm>>
      %dma_wait3A_17 = tpu.memref_slice %arg5[%mul3A_2] : memref<320000xi32, #tpu.memory_space<hbm>> -> memref<10000xi32, #tpu.memory_space<hbm>>
      tpu.wait_dma2 semaphore(%run_scoped3A : memref<!tpu.dma_semaphore, #tpu.memory_space<semaphore_mem>>) src(%arg9 : memref<10000xi32, #tpu.memory_space<vmem>>) dst(%dma_wait3A_17 : memref<10000xi32, #tpu.memory_space<hbm>>)
      tpu.yield
    }) : () -> ()
    "tpu.region"() ({
      %run_scoped3A = tpu.sem_alloc : memref<!tpu.dma_semaphore, #tpu.memory_space<semaphore_mem>>
      %dma_start3A = tpu.memref_slice %arg4[%mul3A_2] : memref<320000xi32, #tpu.memory_space<hbm>> -> memref<10000xi32, #tpu.memory_space<hbm>>
      %dma_start3A_16 = tpu.memref_slice %arg4[%mul3A_2] : memref<320000xi32, #tpu.memory_space<hbm>> -> memref<10000xi32, #tpu.memory_space<hbm>>
      tpu.enqueue_dma source(%dma_start3A_16 : memref<10000xi32, #tpu.memory_space<hbm>>) target(%arg8 : memref<10000xi32, #tpu.memory_space<vmem>>) target_semaphore(%run_scoped3A : memref<!tpu.dma_semaphore, #tpu.memory_space<semaphore_mem>>)
      %dma_wait3A = tpu.memref_slice %arg4[%mul3A_2] : memref<320000xi32, #tpu.memory_space<hbm>> -> memref<10000xi32, #tpu.memory_space<hbm>>
      %dma_wait3A_17 = tpu.memref_slice %arg4[%mul3A_2] : memref<320000xi32, #tpu.memory_space<hbm>> -> memref<10000xi32, #tpu.memory_space<hbm>>
      tpu.wait_dma2 semaphore(%run_scoped3A : memref<!tpu.dma_semaphore, #tpu.memory_space<semaphore_mem>>) src(%dma_wait3A_17 : memref<10000xi32, #tpu.memory_space<hbm>>) dst(%arg8 : memref<10000xi32, #tpu.memory_space<vmem>>)
      tpu.yield
    }) : () -> ()
    %scan3A_9 = arith.constant 0 : i32
    %scan3A_10 = arith.constant 0 : i32
    %scan3A_11 = arith.constant 125 : i32
    %scan3A_12 = arith.addi %scan3A_10, %scan3A_11 : i32
    %scan3A_13 = arith.constant 1 : i32
    %scan3A_14 = scf.for %scan3A_16 = %scan3A_10 to %scan3A_12 step %scan3A_13 iter_args(%scan3A_17 = %scan3A_9) -> (i32)  : i32 {
      %mul3A_18 = arith.constant 80 : i32
      %mul3A_19 = arith.muli %scan3A_16, %mul3A_18 : i32
      %add3A_20 = arith.constant 0 : i32
      %add3A_21 = arith.addi %mul3A_19, %add3A_20 : i32
      %get3A = arith.index_cast %add3A_21 : i32 to index
      %get3A_22 = tpu.vector_load %arg8[%get3A] {strides = array<i32>} : memref<10000xi32, #tpu.memory_space<vmem>>, vector<16xi32>,
      %gather3A = tpu.vector_load_idx %arg7[%get3A_22] : memref<10000xi32, #tpu.memory_space<vmem>>[vector<16xi32>], vector<16xi32>,
      %add3A_23 = arith.constant 0 : i32
      %add3A_24 = arith.addi %mul3A_19, %add3A_23 : i32
      %swap3A = arith.index_cast %add3A_24 : i32 to index
      %swap3A_25 = tpu.vector_load %arg9[%swap3A] {strides = array<i32>} : memref<10000xi32, #tpu.memory_space<vmem>>, vector<16xi32>,
      tpu.vector_store %arg9[%swap3A], %gather3A {strides = array<i32>} : memref<10000xi32, #tpu.memory_space<vmem>>, vector<16xi32>,
      %add3A_26 = arith.constant 16 : i32
      %add3A_27 = arith.addi %mul3A_19, %add3A_26 : i32
      %get3A_28 = arith.index_cast %add3A_27 : i32 to index
      %get3A_29 = tpu.vector_load %arg8[%get3A_28] {strides = array<i32>} : memref<10000xi32, #tpu.memory_space<vmem>>, vector<16xi32>,
      %gather3A_30 = tpu.vector_load_idx %arg7[%get3A_29] : memref<10000xi32, #tpu.memory_space<vmem>>[vector<16xi32>], vector<16xi32>,
      %add3A_31 = arith.constant 16 : i32
      %add3A_32 = arith.addi %mul3A_19, %add3A_31 : i32
      %swap3A_33 = arith.index_cast %add3A_32 : i32 to index
      %swap3A_34 = tpu.vector_load %arg9[%swap3A_33] {strides = array<i32>} : memref<10000xi32, #tpu.memory_space<vmem>>, vector<16xi32>,
      tpu.vector_store %arg9[%swap3A_33], %gather3A_30 {strides = array<i32>} : memref<10000xi32, #tpu.memory_space<vmem>>, vector<16xi32>,
      %add3A_35 = arith.constant 32 : i32
      %add3A_36 = arith.addi %mul3A_19, %add3A_35 : i32
      %get3A_37 = arith.index_cast %add3A_36 : i32 to index
      %get3A_38 = tpu.vector_load %arg8[%get3A_37] {strides = array<i32>} : memref<10000xi32, #tpu.memory_space<vmem>>, vector<16xi32>,
      %gather3A_39 = tpu.vector_load_idx %arg7[%get3A_38] : memref<10000xi32, #tpu.memory_space<vmem>>[vector<16xi32>], vector<16xi32>,
      %add3A_40 = arith.constant 32 : i32
      %add3A_41 = arith.addi %mul3A_19, %add3A_40 : i32
      %swap3A_42 = arith.index_cast %add3A_41 : i32 to index
      %swap3A_43 = tpu.vector_load %arg9[%swap3A_42] {strides = array<i32>} : memref<10000xi32, #tpu.memory_space<vmem>>, vector<16xi32>,
      tpu.vector_store %arg9[%swap3A_42], %gather3A_39 {strides = array<i32>} : memref<10000xi32, #tpu.memory_space<vmem>>, vector<16xi32>,
      %add3A_44 = arith.constant 48 : i32
      %add3A_45 = arith.addi %mul3A_19, %add3A_44 : i32
      %get3A_46 = arith.index_cast %add3A_45 : i32 to index
      %get3A_47 = tpu.vector_load %arg8[%get3A_46] {strides = array<i32>} : memref<10000xi32, #tpu.memory_space<vmem>>, vector<16xi32>,
      %gather3A_48 = tpu.vector_load_idx %arg7[%get3A_47] : memref<10000xi32, #tpu.memory_space<vmem>>[vector<16xi32>], vector<16xi32>,
      %add3A_49 = arith.constant 48 : i32
      %add3A_50 = arith.addi %mul3A_19, %add3A_49 : i32
      %swap3A_51 = arith.index_cast %add3A_50 : i32 to index
      %swap3A_52 = tpu.vector_load %arg9[%swap3A_51] {strides = array<i32>} : memref<10000xi32, #tpu.memory_space<vmem>>, vector<16xi32>,
      tpu.vector_store %arg9[%swap3A_51], %gather3A_48 {strides = array<i32>} : memref<10000xi32, #tpu.memory_space<vmem>>, vector<16xi32>,
      %add3A_53 = arith.constant 64 : i32
      %add3A_54 = arith.addi %mul3A_19, %add3A_53 : i32
      %get3A_55 = arith.index_cast %add3A_54 : i32 to index
      %get3A_56 = tpu.vector_load %arg8[%get3A_55] {strides = array<i32>} : memref<10000xi32, #tpu.memory_space<vmem>>, vector<16xi32>,
      %gather3A_57 = tpu.vector_load_idx %arg7[%get3A_56] : memref<10000xi32, #tpu.memory_space<vmem>>[vector<16xi32>], vector<16xi32>,
      %add3A_58 = arith.constant 64 : i32
      %add3A_59 = arith.addi %mul3A_19, %add3A_58 : i32
      %swap3A_60 = arith.index_cast %add3A_59 : i32 to index
      %swap3A_61 = tpu.vector_load %arg9[%swap3A_60] {strides = array<i32>} : memref<10000xi32, #tpu.memory_space<vmem>>, vector<16xi32>,
      tpu.vector_store %arg9[%swap3A_60], %gather3A_57 {strides = array<i32>} : memref<10000xi32, #tpu.memory_space<vmem>>, vector<16xi32>,
      %scan3A_62 = arith.constant 0 : i32
      scf.yield %scan3A_62 : i32
    }
    %scan3A_15 = arith.constant 125 : i32
    "tpu.region"() ({
      %run_scoped3A = tpu.sem_alloc : memref<!tpu.dma_semaphore, #tpu.memory_space<semaphore_mem>>
      %dma_start3A = tpu.memref_slice %arg6[%mul3A_2] : memref<320000xi32, #tpu.memory_space<hbm>> -> memref<10000xi32, #tpu.memory_space<hbm>>
      %dma_start3A_16 = tpu.memref_slice %arg6[%mul3A_2] : memref<320000xi32, #tpu.memory_space<hbm>> -> memref<10000xi32, #tpu.memory_space<hbm>>
      tpu.enqueue_dma source(%arg9 : memref<10000xi32, #tpu.memory_space<vmem>>) target(%dma_start3A_16 : memref<10000xi32, #tpu.memory_space<hbm>>) target_semaphore(%run_scoped3A : memref<!tpu.dma_semaphore, #tpu.memory_space<semaphore_mem>>)
      %dma_wait3A = tpu.memref_slice %arg6[%mul3A_2] : memref<320000xi32, #tpu.memory_space<hbm>> -> memref<10000xi32, #tpu.memory_space<hbm>>
      %dma_wait3A_17 = tpu.memref_slice %arg6[%mul3A_2] : memref<320000xi32, #tpu.memory_space<hbm>> -> memref<10000xi32, #tpu.memory_space<hbm>>
      tpu.wait_dma2 semaphore(%run_scoped3A : memref<!tpu.dma_semaphore, #tpu.memory_space<semaphore_mem>>) src(%arg9 : memref<10000xi32, #tpu.memory_space<vmem>>) dst(%dma_wait3A_17 : memref<10000xi32, #tpu.memory_space<hbm>>)
      tpu.yield
    }) : () -> ()
    return
  }
}

module attributes {stable_mosaic.version = 14 : i64} {
  func.func @_fold_body(%arg0: memref<128x128xf32, #tpu.memory_space<vmem>>, %arg1: memref<384x128xf32, #tpu.memory_space<vmem>>, %arg2: memref<16x128xf32, #tpu.memory_space<vmem>>, %arg3: memref<128x128xbf16, #tpu.memory_space<vmem>>, %arg4: memref<128x128xbf16, #tpu.memory_space<vmem>>, %arg5: memref<16x128xf32, #tpu.memory_space<vmem>>) attributes {dimension_semantics = [], scalar_prefetch = 0 : i64, scratch_operands = 0 : i64, tpu.core_type = #tpu.core_type<tc>} {
    %get3A = arith.constant 0 : index
    %get3A_0 = arith.constant 0 : index
    %get3A_1 = vector.load %arg0[%get3A, %get3A_0] : memref<128x128xf32, #tpu.memory_space<vmem>>, vector<128x128xf32>
    %get3A_2 = arith.constant 0 : index
    %get3A_3 = arith.constant 0 : index
    %get3A_4 = vector.load %arg1[%get3A_2, %get3A_3] : memref<384x128xf32, #tpu.memory_space<vmem>>, vector<128x128xf32>
    %dot_general3A = arith.constant dense<0.000000e+00> : vector<128x128xf32>
    %dot_general3A_5 = tpu.matmul %get3A_1, %get3A_4, %dot_general3A {dimension_numbers = #tpu.dot_dimension_numbers<[1], [0], [0], [1], [0, 0, 1, 1], [], []>, transpose_lhs_hint = false} : vector<128x128xf32>, vector<128x128xf32>, vector<128x128xf32> -> vector<128x128xf32>
    %convert_element_type3A = arith.truncf %dot_general3A_5 : vector<128x128xf32> to vector<128x128xbf16>
    %swap3A = arith.constant 0 : index
    %swap3A_6 = arith.constant 0 : index
    %swap3A_7 = vector.load %arg3[%swap3A, %swap3A_6] : memref<128x128xbf16, #tpu.memory_space<vmem>>, vector<128x128xbf16>
    tpu.vector_store %arg3[%swap3A, %swap3A_6], %convert_element_type3A {strides = array<i32>} : memref<128x128xbf16, #tpu.memory_space<vmem>>, vector<128x128xbf16>,
    %get3A_8 = arith.constant 128 : index
    %get3A_9 = arith.constant 0 : index
    %get3A_10 = vector.load %arg1[%get3A_8, %get3A_9] : memref<384x128xf32, #tpu.memory_space<vmem>>, vector<128x128xf32>
    %dot_general3A_11 = arith.constant dense<0.000000e+00> : vector<128x128xf32>
    %dot_general3A_12 = tpu.matmul %get3A_1, %get3A_10, %dot_general3A_11 {dimension_numbers = #tpu.dot_dimension_numbers<[1], [0], [0], [1], [0, 0, 1, 1], [], []>, transpose_lhs_hint = false} : vector<128x128xf32>, vector<128x128xf32>, vector<128x128xf32> -> vector<128x128xf32>
    %convert_element_type3A_13 = arith.truncf %dot_general3A_12 : vector<128x128xf32> to vector<128x128xbf16>
    %swap3A_14 = arith.constant 0 : index
    %swap3A_15 = arith.constant 0 : index
    %swap3A_16 = vector.load %arg4[%swap3A_14, %swap3A_15] : memref<128x128xbf16, #tpu.memory_space<vmem>>, vector<128x128xbf16>
    tpu.vector_store %arg4[%swap3A_14, %swap3A_15], %convert_element_type3A_13 {strides = array<i32>} : memref<128x128xbf16, #tpu.memory_space<vmem>>, vector<128x128xbf16>,
    %get3A_17 = arith.constant 0 : index
    %get3A_18 = arith.constant 0 : index
    %get3A_19 = vector.load %arg2[%get3A_17, %get3A_18] : memref<16x128xf32, #tpu.memory_space<vmem>>, vector<16x128xf32>
    %get3A_20 = arith.constant 256 : index
    %get3A_21 = arith.constant 0 : index
    %get3A_22 = vector.load %arg1[%get3A_20, %get3A_21] : memref<384x128xf32, #tpu.memory_space<vmem>>, vector<128x128xf32>
    %dot_general3A_23 = arith.constant dense<0.000000e+00> : vector<16x128xf32>
    %dot_general3A_24 = tpu.matmul %get3A_19, %get3A_22, %dot_general3A_23 {dimension_numbers = #tpu.dot_dimension_numbers<[1], [0], [0], [1], [0, 0, 1, 1], [], []>, transpose_lhs_hint = false} : vector<16x128xf32>, vector<128x128xf32>, vector<16x128xf32> -> vector<16x128xf32>
    %swap3A_25 = arith.constant 0 : index
    %swap3A_26 = arith.constant 0 : index
    %swap3A_27 = vector.load %arg5[%swap3A_25, %swap3A_26] : memref<16x128xf32, #tpu.memory_space<vmem>>, vector<16x128xf32>
    tpu.vector_store %arg5[%swap3A_25, %swap3A_26], %dot_general3A_24 {strides = array<i32>} : memref<16x128xf32, #tpu.memory_space<vmem>>, vector<16x128xf32>,
    return
  }
}

module attributes {stable_mosaic.version = 14 : i64} {
  func.func @_mlp_body(%arg0: i32, %arg1: memref<1x20x128xi32, #tpu.memory_space<vmem>>, %arg2: memref<1x20x128xi32, #tpu.memory_space<vmem>>, %arg3: memref<2560x16xf32, #tpu.memory_space<vmem>>, %arg4: memref<128x128xbf16, #tpu.memory_space<vmem>>, %arg5: memref<128x128xbf16, #tpu.memory_space<vmem>>, %arg6: memref<16x128xf32, #tpu.memory_space<vmem>>, %arg7: memref<1x128xf32, #tpu.memory_space<vmem>>, %arg8: memref<2560x128xf32, #tpu.memory_space<vmem>>) attributes {dimension_semantics = [#tpu.dimension_semantics<arbitrary>], iteration_bounds = array<i64: 125>, scalar_prefetch = 0 : i64, scratch_operands = 0 : i64, tpu.core_type = #tpu.core_type<tc>, window_params = [{transform_indices = @transform_0, window_bounds = array<i64: 1, 20, 128>}, {transform_indices = @transform_1, window_bounds = array<i64: 1, 20, 128>}, {transform_indices = @transform_2, window_bounds = array<i64: 2560, 16>}, {pipeline_mode = #tpu.pipeline_mode<synchronous>, transform_indices = @transform_3, window_bounds = array<i64: 128, 128>}, {pipeline_mode = #tpu.pipeline_mode<synchronous>, transform_indices = @transform_4, window_bounds = array<i64: 128, 128>}, {pipeline_mode = #tpu.pipeline_mode<synchronous>, transform_indices = @transform_5, window_bounds = array<i64: 16, 128>}, {pipeline_mode = #tpu.pipeline_mode<synchronous>, transform_indices = @transform_6, window_bounds = array<i64: 1, 128>}, {transform_indices = @transform_7, window_bounds = array<i64: 2560, 128>}]} {
    %iota3A = tpu.iota {dimensions = array<i32: 0>} : vector<128x128xi32>
    %get3A = arith.constant 0 : index
    %get3A_0 = arith.constant 0 : index
    %get3A_1 = arith.constant 0 : index
    %get3A_2 = vector.load %arg1[%get3A, %get3A_0, %get3A_1] : memref<1x20x128xi32, #tpu.memory_space<vmem>>, vector<1x20x128xi32>
    %get3A_3 = vector.shape_cast %get3A_2 : vector<1x20x128xi32> to vector<20x128xi32>
    %get3A_4 = arith.constant 0 : index
    %get3A_5 = arith.constant 0 : index
    %get3A_6 = arith.constant 0 : index
    %get3A_7 = vector.load %arg2[%get3A_4, %get3A_5, %get3A_6] : memref<1x20x128xi32, #tpu.memory_space<vmem>>, vector<1x20x128xi32>
    %get3A_8 = vector.shape_cast %get3A_7 : vector<1x20x128xi32> to vector<20x128xi32>
    %get3A_9 = arith.constant 0 : index
    %get3A_10 = arith.constant 0 : index
    %get3A_11 = vector.load %arg4[%get3A_9, %get3A_10] : memref<128x128xbf16, #tpu.memory_space<vmem>>, vector<128x128xbf16>
    %get3A_12 = arith.constant 0 : index
    %get3A_13 = arith.constant 0 : index
    %get3A_14 = vector.load %arg5[%get3A_12, %get3A_13] : memref<128x128xbf16, #tpu.memory_space<vmem>>, vector<128x128xbf16>
    %get3A_15 = arith.constant 0 : index
    %get3A_16 = arith.constant 0 : index
    %get3A_17 = vector.load %arg3[%get3A_15, %get3A_16] : memref<2560x16xf32, #tpu.memory_space<vmem>>, vector<2560x16xf32>
    %get3A_18 = arith.constant 0 : index
    %get3A_19 = arith.constant 0 : index
    %get3A_20 = vector.load %arg6[%get3A_18, %get3A_19] : memref<16x128xf32, #tpu.memory_space<vmem>>, vector<16x128xf32>
    %dot_general3A = arith.constant dense<0.000000e+00> : vector<2560x128xf32>
    %dot_general3A_21 = tpu.matmul %get3A_17, %get3A_20, %dot_general3A {dimension_numbers = #tpu.dot_dimension_numbers<[1], [0], [0], [1], [0, 0, 1, 1], [], []>, transpose_lhs_hint = false} : vector<2560x16xf32>, vector<16x128xf32>, vector<2560x128xf32> -> vector<2560x128xf32>
    %get3A_22 = arith.constant 0 : index
    %get3A_23 = arith.constant 0 : index
    %get3A_24 = vector.load %arg7[%get3A_22, %get3A_23] : memref<1x128xf32, #tpu.memory_space<vmem>>, vector<1x128xf32>
    %add3A = vector.broadcast %get3A_24 : vector<1x128xf32> to vector<2560x128xf32>
    %add3A_25 = arith.addf %dot_general3A_21, %add3A : vector<2560x128xf32>
    %slice3A = vector.extract_strided_slice %get3A_8 {offsets = [0, 0], sizes = [1, 128], strides = [1, 1]} : vector<20x128xi32> to vector<1x128xi32>
    %eq3A = vector.broadcast %slice3A : vector<1x128xi32> to vector<128x128xi32>
    %eq3A_26 = arith.cmpi eq, %eq3A, %iota3A : vector<128x128xi32>
    %convert_element_type3A = arith.extui %eq3A_26 : vector<128x128xi1> to vector<128x128xi32>
    %convert_element_type3A_27 = arith.sitofp %convert_element_type3A : vector<128x128xi32> to vector<128x128xf32>
    %convert_element_type3A_28 = arith.truncf %convert_element_type3A_27 : vector<128x128xf32> to vector<128x128xbf16>
    %slice3A_29 = vector.extract_strided_slice %get3A_3 {offsets = [0, 0], sizes = [1, 128], strides = [1, 1]} : vector<20x128xi32> to vector<1x128xi32>
    %eq3A_30 = vector.broadcast %slice3A_29 : vector<1x128xi32> to vector<128x128xi32>
    %eq3A_31 = arith.cmpi eq, %eq3A_30, %iota3A : vector<128x128xi32>
    %convert_element_type3A_32 = arith.extui %eq3A_31 : vector<128x128xi1> to vector<128x128xi32>
    %convert_element_type3A_33 = arith.sitofp %convert_element_type3A_32 : vector<128x128xi32> to vector<128x128xf32>
    %convert_element_type3A_34 = arith.truncf %convert_element_type3A_33 : vector<128x128xf32> to vector<128x128xbf16>
    %dot_general3A_35 = arith.constant dense<0.000000e+00> : vector<128x128xf32>
    %dot_general3A_36 = tpu.matmul %convert_element_type3A_28, %get3A_11, %dot_general3A_35 {dimension_numbers = #tpu.dot_dimension_numbers<[0], [0], [1], [1], [0, 1, 1, 1], [], []>, transpose_lhs_hint = false} : vector<128x128xbf16>, vector<128x128xbf16>, vector<128x128xf32> -> vector<128x128xf32>
    %dot_general3A_37 = arith.constant dense<0.000000e+00> : vector<128x128xf32>
    %dot_general3A_38 = tpu.matmul %convert_element_type3A_34, %get3A_14, %dot_general3A_37 {dimension_numbers = #tpu.dot_dimension_numbers<[0], [0], [1], [1], [0, 1, 1, 1], [], []>, transpose_lhs_hint = false} : vector<128x128xbf16>, vector<128x128xbf16>, vector<128x128xf32> -> vector<128x128xf32>
    %add3A_39 = arith.addf %dot_general3A_36, %dot_general3A_38 : vector<128x128xf32>
    %slice3A_40 = vector.extract_strided_slice %get3A_8 {offsets = [1, 0], sizes = [1, 128], strides = [1, 1]} : vector<20x128xi32> to vector<1x128xi32>
    %eq3A_41 = vector.broadcast %slice3A_40 : vector<1x128xi32> to vector<128x128xi32>
    %eq3A_42 = arith.cmpi eq, %eq3A_41, %iota3A : vector<128x128xi32>
    %convert_element_type3A_43 = arith.extui %eq3A_42 : vector<128x128xi1> to vector<128x128xi32>
    %convert_element_type3A_44 = arith.sitofp %convert_element_type3A_43 : vector<128x128xi32> to vector<128x128xf32>
    %convert_element_type3A_45 = arith.truncf %convert_element_type3A_44 : vector<128x128xf32> to vector<128x128xbf16>
    %slice3A_46 = vector.extract_strided_slice %get3A_3 {offsets = [1, 0], sizes = [1, 128], strides = [1, 1]} : vector<20x128xi32> to vector<1x128xi32>
    %eq3A_47 = vector.broadcast %slice3A_46 : vector<1x128xi32> to vector<128x128xi32>
    %eq3A_48 = arith.cmpi eq, %eq3A_47, %iota3A : vector<128x128xi32>
    %convert_element_type3A_49 = arith.extui %eq3A_48 : vector<128x128xi1> to vector<128x128xi32>
    %convert_element_type3A_50 = arith.sitofp %convert_element_type3A_49 : vector<128x128xi32> to vector<128x128xf32>
    %convert_element_type3A_51 = arith.truncf %convert_element_type3A_50 : vector<128x128xf32> to vector<128x128xbf16>
    %dot_general3A_52 = arith.constant dense<0.000000e+00> : vector<128x128xf32>
    %dot_general3A_53 = tpu.matmul %convert_element_type3A_45, %get3A_11, %dot_general3A_52 {dimension_numbers = #tpu.dot_dimension_numbers<[0], [0], [1], [1], [0, 1, 1, 1], [], []>, transpose_lhs_hint = false} : vector<128x128xbf16>, vector<128x128xbf16>, vector<128x128xf32> -> vector<128x128xf32>
    %dot_general3A_54 = arith.constant dense<0.000000e+00> : vector<128x128xf32>
    %dot_general3A_55 = tpu.matmul %convert_element_type3A_51, %get3A_14, %dot_general3A_54 {dimension_numbers = #tpu.dot_dimension_numbers<[0], [0], [1], [1], [0, 1, 1, 1], [], []>, transpose_lhs_hint = false} : vector<128x128xbf16>, vector<128x128xbf16>, vector<128x128xf32> -> vector<128x128xf32>
    %add3A_56 = arith.addf %dot_general3A_53, %dot_general3A_55 : vector<128x128xf32>
    %slice3A_57 = vector.extract_strided_slice %get3A_8 {offsets = [2, 0], sizes = [1, 128], strides = [1, 1]} : vector<20x128xi32> to vector<1x128xi32>
    %eq3A_58 = vector.broadcast %slice3A_57 : vector<1x128xi32> to vector<128x128xi32>
    %eq3A_59 = arith.cmpi eq, %eq3A_58, %iota3A : vector<128x128xi32>
    %convert_element_type3A_60 = arith.extui %eq3A_59 : vector<128x128xi1> to vector<128x128xi32>
    %convert_element_type3A_61 = arith.sitofp %convert_element_type3A_60 : vector<128x128xi32> to vector<128x128xf32>
    %convert_element_type3A_62 = arith.truncf %convert_element_type3A_61 : vector<128x128xf32> to vector<128x128xbf16>
    %slice3A_63 = vector.extract_strided_slice %get3A_3 {offsets = [2, 0], sizes = [1, 128], strides = [1, 1]} : vector<20x128xi32> to vector<1x128xi32>
    %eq3A_64 = vector.broadcast %slice3A_63 : vector<1x128xi32> to vector<128x128xi32>
    %eq3A_65 = arith.cmpi eq, %eq3A_64, %iota3A : vector<128x128xi32>
    %convert_element_type3A_66 = arith.extui %eq3A_65 : vector<128x128xi1> to vector<128x128xi32>
    %convert_element_type3A_67 = arith.sitofp %convert_element_type3A_66 : vector<128x128xi32> to vector<128x128xf32>
    %convert_element_type3A_68 = arith.truncf %convert_element_type3A_67 : vector<128x128xf32> to vector<128x128xbf16>
    %dot_general3A_69 = arith.constant dense<0.000000e+00> : vector<128x128xf32>
    %dot_general3A_70 = tpu.matmul %convert_element_type3A_62, %get3A_11, %dot_general3A_69 {dimension_numbers = #tpu.dot_dimension_numbers<[0], [0], [1], [1], [0, 1, 1, 1], [], []>, transpose_lhs_hint = false} : vector<128x128xbf16>, vector<128x128xbf16>, vector<128x128xf32> -> vector<128x128xf32>
    %dot_general3A_71 = arith.constant dense<0.000000e+00> : vector<128x128xf32>
    %dot_general3A_72 = tpu.matmul %convert_element_type3A_68, %get3A_14, %dot_general3A_71 {dimension_numbers = #tpu.dot_dimension_numbers<[0], [0], [1], [1], [0, 1, 1, 1], [], []>, transpose_lhs_hint = false} : vector<128x128xbf16>, vector<128x128xbf16>, vector<128x128xf32> -> vector<128x128xf32>
    %add3A_73 = arith.addf %dot_general3A_70, %dot_general3A_72 : vector<128x128xf32>
    %slice3A_74 = vector.extract_strided_slice %get3A_8 {offsets = [3, 0], sizes = [1, 128], strides = [1, 1]} : vector<20x128xi32> to vector<1x128xi32>
    %eq3A_75 = vector.broadcast %slice3A_74 : vector<1x128xi32> to vector<128x128xi32>
    %eq3A_76 = arith.cmpi eq, %eq3A_75, %iota3A : vector<128x128xi32>
    %convert_element_type3A_77 = arith.extui %eq3A_76 : vector<128x128xi1> to vector<128x128xi32>
    %convert_element_type3A_78 = arith.sitofp %convert_element_type3A_77 : vector<128x128xi32> to vector<128x128xf32>
    %convert_element_type3A_79 = arith.truncf %convert_element_type3A_78 : vector<128x128xf32> to vector<128x128xbf16>
    %slice3A_80 = vector.extract_strided_slice %get3A_3 {offsets = [3, 0], sizes = [1, 128], strides = [1, 1]} : vector<20x128xi32> to vector<1x128xi32>
    %eq3A_81 = vector.broadcast %slice3A_80 : vector<1x128xi32> to vector<128x128xi32>
    %eq3A_82 = arith.cmpi eq, %eq3A_81, %iota3A : vector<128x128xi32>
    %convert_element_type3A_83 = arith.extui %eq3A_82 : vector<128x128xi1> to vector<128x128xi32>
    %convert_element_type3A_84 = arith.sitofp %convert_element_type3A_83 : vector<128x128xi32> to vector<128x128xf32>
    %convert_element_type3A_85 = arith.truncf %convert_element_type3A_84 : vector<128x128xf32> to vector<128x128xbf16>
    %dot_general3A_86 = arith.constant dense<0.000000e+00> : vector<128x128xf32>
    %dot_general3A_87 = tpu.matmul %convert_element_type3A_79, %get3A_11, %dot_general3A_86 {dimension_numbers = #tpu.dot_dimension_numbers<[0], [0], [1], [1], [0, 1, 1, 1], [], []>, transpose_lhs_hint = false} : vector<128x128xbf16>, vector<128x128xbf16>, vector<128x128xf32> -> vector<128x128xf32>
    %dot_general3A_88 = arith.constant dense<0.000000e+00> : vector<128x128xf32>
    %dot_general3A_89 = tpu.matmul %convert_element_type3A_85, %get3A_14, %dot_general3A_88 {dimension_numbers = #tpu.dot_dimension_numbers<[0], [0], [1], [1], [0, 1, 1, 1], [], []>, transpose_lhs_hint = false} : vector<128x128xbf16>, vector<128x128xbf16>, vector<128x128xf32> -> vector<128x128xf32>
    %add3A_90 = arith.addf %dot_general3A_87, %dot_general3A_89 : vector<128x128xf32>
    %slice3A_91 = vector.extract_strided_slice %get3A_8 {offsets = [4, 0], sizes = [1, 128], strides = [1, 1]} : vector<20x128xi32> to vector<1x128xi32>
    %eq3A_92 = vector.broadcast %slice3A_91 : vector<1x128xi32> to vector<128x128xi32>
    %eq3A_93 = arith.cmpi eq, %eq3A_92, %iota3A : vector<128x128xi32>
    %convert_element_type3A_94 = arith.extui %eq3A_93 : vector<128x128xi1> to vector<128x128xi32>
    %convert_element_type3A_95 = arith.sitofp %convert_element_type3A_94 : vector<128x128xi32> to vector<128x128xf32>
    %convert_element_type3A_96 = arith.truncf %convert_element_type3A_95 : vector<128x128xf32> to vector<128x128xbf16>
    %slice3A_97 = vector.extract_strided_slice %get3A_3 {offsets = [4, 0], sizes = [1, 128], strides = [1, 1]} : vector<20x128xi32> to vector<1x128xi32>
    %eq3A_98 = vector.broadcast %slice3A_97 : vector<1x128xi32> to vector<128x128xi32>
    %eq3A_99 = arith.cmpi eq, %eq3A_98, %iota3A : vector<128x128xi32>
    %convert_element_type3A_100 = arith.extui %eq3A_99 : vector<128x128xi1> to vector<128x128xi32>
    %convert_element_type3A_101 = arith.sitofp %convert_element_type3A_100 : vector<128x128xi32> to vector<128x128xf32>
    %convert_element_type3A_102 = arith.truncf %convert_element_type3A_101 : vector<128x128xf32> to vector<128x128xbf16>
    %dot_general3A_103 = arith.constant dense<0.000000e+00> : vector<128x128xf32>
    %dot_general3A_104 = tpu.matmul %convert_element_type3A_96, %get3A_11, %dot_general3A_103 {dimension_numbers = #tpu.dot_dimension_numbers<[0], [0], [1], [1], [0, 1, 1, 1], [], []>, transpose_lhs_hint = false} : vector<128x128xbf16>, vector<128x128xbf16>, vector<128x128xf32> -> vector<128x128xf32>
    %dot_general3A_105 = arith.constant dense<0.000000e+00> : vector<128x128xf32>
    %dot_general3A_106 = tpu.matmul %convert_element_type3A_102, %get3A_14, %dot_general3A_105 {dimension_numbers = #tpu.dot_dimension_numbers<[0], [0], [1], [1], [0, 1, 1, 1], [], []>, transpose_lhs_hint = false} : vector<128x128xbf16>, vector<128x128xbf16>, vector<128x128xf32> -> vector<128x128xf32>
    %add3A_107 = arith.addf %dot_general3A_104, %dot_general3A_106 : vector<128x128xf32>
    %slice3A_108 = vector.extract_strided_slice %get3A_8 {offsets = [5, 0], sizes = [1, 128], strides = [1, 1]} : vector<20x128xi32> to vector<1x128xi32>
    %eq3A_109 = vector.broadcast %slice3A_108 : vector<1x128xi32> to vector<128x128xi32>
    %eq3A_110 = arith.cmpi eq, %eq3A_109, %iota3A : vector<128x128xi32>
    %convert_element_type3A_111 = arith.extui %eq3A_110 : vector<128x128xi1> to vector<128x128xi32>
    %convert_element_type3A_112 = arith.sitofp %convert_element_type3A_111 : vector<128x128xi32> to vector<128x128xf32>
    %convert_element_type3A_113 = arith.truncf %convert_element_type3A_112 : vector<128x128xf32> to vector<128x128xbf16>
    %slice3A_114 = vector.extract_strided_slice %get3A_3 {offsets = [5, 0], sizes = [1, 128], strides = [1, 1]} : vector<20x128xi32> to vector<1x128xi32>
    %eq3A_115 = vector.broadcast %slice3A_114 : vector<1x128xi32> to vector<128x128xi32>
    %eq3A_116 = arith.cmpi eq, %eq3A_115, %iota3A : vector<128x128xi32>
    %convert_element_type3A_117 = arith.extui %eq3A_116 : vector<128x128xi1> to vector<128x128xi32>
    %convert_element_type3A_118 = arith.sitofp %convert_element_type3A_117 : vector<128x128xi32> to vector<128x128xf32>
    %convert_element_type3A_119 = arith.truncf %convert_element_type3A_118 : vector<128x128xf32> to vector<128x128xbf16>
    %dot_general3A_120 = arith.constant dense<0.000000e+00> : vector<128x128xf32>
    %dot_general3A_121 = tpu.matmul %convert_element_type3A_113, %get3A_11, %dot_general3A_120 {dimension_numbers = #tpu.dot_dimension_numbers<[0], [0], [1], [1], [0, 1, 1, 1], [], []>, transpose_lhs_hint = false} : vector<128x128xbf16>, vector<128x128xbf16>, vector<128x128xf32> -> vector<128x128xf32>
    %dot_general3A_122 = arith.constant dense<0.000000e+00> : vector<128x128xf32>
    %dot_general3A_123 = tpu.matmul %convert_element_type3A_119, %get3A_14, %dot_general3A_122 {dimension_numbers = #tpu.dot_dimension_numbers<[0], [0], [1], [1], [0, 1, 1, 1], [], []>, transpose_lhs_hint = false} : vector<128x128xbf16>, vector<128x128xbf16>, vector<128x128xf32> -> vector<128x128xf32>
    %add3A_124 = arith.addf %dot_general3A_121, %dot_general3A_123 : vector<128x128xf32>
    %slice3A_125 = vector.extract_strided_slice %get3A_8 {offsets = [6, 0], sizes = [1, 128], strides = [1, 1]} : vector<20x128xi32> to vector<1x128xi32>
    %eq3A_126 = vector.broadcast %slice3A_125 : vector<1x128xi32> to vector<128x128xi32>
    %eq3A_127 = arith.cmpi eq, %eq3A_126, %iota3A : vector<128x128xi32>
    %convert_element_type3A_128 = arith.extui %eq3A_127 : vector<128x128xi1> to vector<128x128xi32>
    %convert_element_type3A_129 = arith.sitofp %convert_element_type3A_128 : vector<128x128xi32> to vector<128x128xf32>
    %convert_element_type3A_130 = arith.truncf %convert_element_type3A_129 : vector<128x128xf32> to vector<128x128xbf16>
    %slice3A_131 = vector.extract_strided_slice %get3A_3 {offsets = [6, 0], sizes = [1, 128], strides = [1, 1]} : vector<20x128xi32> to vector<1x128xi32>
    %eq3A_132 = vector.broadcast %slice3A_131 : vector<1x128xi32> to vector<128x128xi32>
    %eq3A_133 = arith.cmpi eq, %eq3A_132, %iota3A : vector<128x128xi32>
    %convert_element_type3A_134 = arith.extui %eq3A_133 : vector<128x128xi1> to vector<128x128xi32>
    %convert_element_type3A_135 = arith.sitofp %convert_element_type3A_134 : vector<128x128xi32> to vector<128x128xf32>
    %convert_element_type3A_136 = arith.truncf %convert_element_type3A_135 : vector<128x128xf32> to vector<128x128xbf16>
    %dot_general3A_137 = arith.constant dense<0.000000e+00> : vector<128x128xf32>
    %dot_general3A_138 = tpu.matmul %convert_element_type3A_130, %get3A_11, %dot_general3A_137 {dimension_numbers = #tpu.dot_dimension_numbers<[0], [0], [1], [1], [0, 1, 1, 1], [], []>, transpose_lhs_hint = false} : vector<128x128xbf16>, vector<128x128xbf16>, vector<128x128xf32> -> vector<128x128xf32>
    %dot_general3A_139 = arith.constant dense<0.000000e+00> : vector<128x128xf32>
    %dot_general3A_140 = tpu.matmul %convert_element_type3A_136, %get3A_14, %dot_general3A_139 {dimension_numbers = #tpu.dot_dimension_numbers<[0], [0], [1], [1], [0, 1, 1, 1], [], []>, transpose_lhs_hint = false} : vector<128x128xbf16>, vector<128x128xbf16>, vector<128x128xf32> -> vector<128x128xf32>
    %add3A_141 = arith.addf %dot_general3A_138, %dot_general3A_140 : vector<128x128xf32>
    %slice3A_142 = vector.extract_strided_slice %get3A_8 {offsets = [7, 0], sizes = [1, 128], strides = [1, 1]} : vector<20x128xi32> to vector<1x128xi32>
    %eq3A_143 = vector.broadcast %slice3A_142 : vector<1x128xi32> to vector<128x128xi32>
    %eq3A_144 = arith.cmpi eq, %eq3A_143, %iota3A : vector<128x128xi32>
    %convert_element_type3A_145 = arith.extui %eq3A_144 : vector<128x128xi1> to vector<128x128xi32>
    %convert_element_type3A_146 = arith.sitofp %convert_element_type3A_145 : vector<128x128xi32> to vector<128x128xf32>
    %convert_element_type3A_147 = arith.truncf %convert_element_type3A_146 : vector<128x128xf32> to vector<128x128xbf16>
    %slice3A_148 = vector.extract_strided_slice %get3A_3 {offsets = [7, 0], sizes = [1, 128], strides = [1, 1]} : vector<20x128xi32> to vector<1x128xi32>
    %eq3A_149 = vector.broadcast %slice3A_148 : vector<1x128xi32> to vector<128x128xi32>
    %eq3A_150 = arith.cmpi eq, %eq3A_149, %iota3A : vector<128x128xi32>
    %convert_element_type3A_151 = arith.extui %eq3A_150 : vector<128x128xi1> to vector<128x128xi32>
    %convert_element_type3A_152 = arith.sitofp %convert_element_type3A_151 : vector<128x128xi32> to vector<128x128xf32>
    %convert_element_type3A_153 = arith.truncf %convert_element_type3A_152 : vector<128x128xf32> to vector<128x128xbf16>
    %dot_general3A_154 = arith.constant dense<0.000000e+00> : vector<128x128xf32>
    %dot_general3A_155 = tpu.matmul %convert_element_type3A_147, %get3A_11, %dot_general3A_154 {dimension_numbers = #tpu.dot_dimension_numbers<[0], [0], [1], [1], [0, 1, 1, 1], [], []>, transpose_lhs_hint = false} : vector<128x128xbf16>, vector<128x128xbf16>, vector<128x128xf32> -> vector<128x128xf32>
    %dot_general3A_156 = arith.constant dense<0.000000e+00> : vector<128x128xf32>
    %dot_general3A_157 = tpu.matmul %convert_element_type3A_153, %get3A_14, %dot_general3A_156 {dimension_numbers = #tpu.dot_dimension_numbers<[0], [0], [1], [1], [0, 1, 1, 1], [], []>, transpose_lhs_hint = false} : vector<128x128xbf16>, vector<128x128xbf16>, vector<128x128xf32> -> vector<128x128xf32>
    %add3A_158 = arith.addf %dot_general3A_155, %dot_general3A_157 : vector<128x128xf32>
    %slice3A_159 = vector.extract_strided_slice %get3A_8 {offsets = [8, 0], sizes = [1, 128], strides = [1, 1]} : vector<20x128xi32> to vector<1x128xi32>
    %eq3A_160 = vector.broadcast %slice3A_159 : vector<1x128xi32> to vector<128x128xi32>
    %eq3A_161 = arith.cmpi eq, %eq3A_160, %iota3A : vector<128x128xi32>
    %convert_element_type3A_162 = arith.extui %eq3A_161 : vector<128x128xi1> to vector<128x128xi32>
    %convert_element_type3A_163 = arith.sitofp %convert_element_type3A_162 : vector<128x128xi32> to vector<128x128xf32>
    %convert_element_type3A_164 = arith.truncf %convert_element_type3A_163 : vector<128x128xf32> to vector<128x128xbf16>
    %slice3A_165 = vector.extract_strided_slice %get3A_3 {offsets = [8, 0], sizes = [1, 128], strides = [1, 1]} : vector<20x128xi32> to vector<1x128xi32>
    %eq3A_166 = vector.broadcast %slice3A_165 : vector<1x128xi32> to vector<128x128xi32>
    %eq3A_167 = arith.cmpi eq, %eq3A_166, %iota3A : vector<128x128xi32>
    %convert_element_type3A_168 = arith.extui %eq3A_167 : vector<128x128xi1> to vector<128x128xi32>
    %convert_element_type3A_169 = arith.sitofp %convert_element_type3A_168 : vector<128x128xi32> to vector<128x128xf32>
    %convert_element_type3A_170 = arith.truncf %convert_element_type3A_169 : vector<128x128xf32> to vector<128x128xbf16>
    %dot_general3A_171 = arith.constant dense<0.000000e+00> : vector<128x128xf32>
    %dot_general3A_172 = tpu.matmul %convert_element_type3A_164, %get3A_11, %dot_general3A_171 {dimension_numbers = #tpu.dot_dimension_numbers<[0], [0], [1], [1], [0, 1, 1, 1], [], []>, transpose_lhs_hint = false} : vector<128x128xbf16>, vector<128x128xbf16>, vector<128x128xf32> -> vector<128x128xf32>
    %dot_general3A_173 = arith.constant dense<0.000000e+00> : vector<128x128xf32>
    %dot_general3A_174 = tpu.matmul %convert_element_type3A_170, %get3A_14, %dot_general3A_173 {dimension_numbers = #tpu.dot_dimension_numbers<[0], [0], [1], [1], [0, 1, 1, 1], [], []>, transpose_lhs_hint = false} : vector<128x128xbf16>, vector<128x128xbf16>, vector<128x128xf32> -> vector<128x128xf32>
    %add3A_175 = arith.addf %dot_general3A_172, %dot_general3A_174 : vector<128x128xf32>
    %slice3A_176 = vector.extract_strided_slice %get3A_8 {offsets = [9, 0], sizes = [1, 128], strides = [1, 1]} : vector<20x128xi32> to vector<1x128xi32>
    %eq3A_177 = vector.broadcast %slice3A_176 : vector<1x128xi32> to vector<128x128xi32>
    %eq3A_178 = arith.cmpi eq, %eq3A_177, %iota3A : vector<128x128xi32>
    %convert_element_type3A_179 = arith.extui %eq3A_178 : vector<128x128xi1> to vector<128x128xi32>
    %convert_element_type3A_180 = arith.sitofp %convert_element_type3A_179 : vector<128x128xi32> to vector<128x128xf32>
    %convert_element_type3A_181 = arith.truncf %convert_element_type3A_180 : vector<128x128xf32> to vector<128x128xbf16>
    %slice3A_182 = vector.extract_strided_slice %get3A_3 {offsets = [9, 0], sizes = [1, 128], strides = [1, 1]} : vector<20x128xi32> to vector<1x128xi32>
    %eq3A_183 = vector.broadcast %slice3A_182 : vector<1x128xi32> to vector<128x128xi32>
    %eq3A_184 = arith.cmpi eq, %eq3A_183, %iota3A : vector<128x128xi32>
    %convert_element_type3A_185 = arith.extui %eq3A_184 : vector<128x128xi1> to vector<128x128xi32>
    %convert_element_type3A_186 = arith.sitofp %convert_element_type3A_185 : vector<128x128xi32> to vector<128x128xf32>
    %convert_element_type3A_187 = arith.truncf %convert_element_type3A_186 : vector<128x128xf32> to vector<128x128xbf16>
    %dot_general3A_188 = arith.constant dense<0.000000e+00> : vector<128x128xf32>
    %dot_general3A_189 = tpu.matmul %convert_element_type3A_181, %get3A_11, %dot_general3A_188 {dimension_numbers = #tpu.dot_dimension_numbers<[0], [0], [1], [1], [0, 1, 1, 1], [], []>, transpose_lhs_hint = false} : vector<128x128xbf16>, vector<128x128xbf16>, vector<128x128xf32> -> vector<128x128xf32>
    %dot_general3A_190 = arith.constant dense<0.000000e+00> : vector<128x128xf32>
    %dot_general3A_191 = tpu.matmul %convert_element_type3A_187, %get3A_14, %dot_general3A_190 {dimension_numbers = #tpu.dot_dimension_numbers<[0], [0], [1], [1], [0, 1, 1, 1], [], []>, transpose_lhs_hint = false} : vector<128x128xbf16>, vector<128x128xbf16>, vector<128x128xf32> -> vector<128x128xf32>
    %add3A_192 = arith.addf %dot_general3A_189, %dot_general3A_191 : vector<128x128xf32>
    %slice3A_193 = vector.extract_strided_slice %get3A_8 {offsets = [10, 0], sizes = [1, 128], strides = [1, 1]} : vector<20x128xi32> to vector<1x128xi32>
    %eq3A_194 = vector.broadcast %slice3A_193 : vector<1x128xi32> to vector<128x128xi32>
    %eq3A_195 = arith.cmpi eq, %eq3A_194, %iota3A : vector<128x128xi32>
    %convert_element_type3A_196 = arith.extui %eq3A_195 : vector<128x128xi1> to vector<128x128xi32>
    %convert_element_type3A_197 = arith.sitofp %convert_element_type3A_196 : vector<128x128xi32> to vector<128x128xf32>
    %convert_element_type3A_198 = arith.truncf %convert_element_type3A_197 : vector<128x128xf32> to vector<128x128xbf16>
    %slice3A_199 = vector.extract_strided_slice %get3A_3 {offsets = [10, 0], sizes = [1, 128], strides = [1, 1]} : vector<20x128xi32> to vector<1x128xi32>
    %eq3A_200 = vector.broadcast %slice3A_199 : vector<1x128xi32> to vector<128x128xi32>
    %eq3A_201 = arith.cmpi eq, %eq3A_200, %iota3A : vector<128x128xi32>
    %convert_element_type3A_202 = arith.extui %eq3A_201 : vector<128x128xi1> to vector<128x128xi32>
    %convert_element_type3A_203 = arith.sitofp %convert_element_type3A_202 : vector<128x128xi32> to vector<128x128xf32>
    %convert_element_type3A_204 = arith.truncf %convert_element_type3A_203 : vector<128x128xf32> to vector<128x128xbf16>
    %dot_general3A_205 = arith.constant dense<0.000000e+00> : vector<128x128xf32>
    %dot_general3A_206 = tpu.matmul %convert_element_type3A_198, %get3A_11, %dot_general3A_205 {dimension_numbers = #tpu.dot_dimension_numbers<[0], [0], [1], [1], [0, 1, 1, 1], [], []>, transpose_lhs_hint = false} : vector<128x128xbf16>, vector<128x128xbf16>, vector<128x128xf32> -> vector<128x128xf32>
    %dot_general3A_207 = arith.constant dense<0.000000e+00> : vector<128x128xf32>
    %dot_general3A_208 = tpu.matmul %convert_element_type3A_204, %get3A_14, %dot_general3A_207 {dimension_numbers = #tpu.dot_dimension_numbers<[0], [0], [1], [1], [0, 1, 1, 1], [], []>, transpose_lhs_hint = false} : vector<128x128xbf16>, vector<128x128xbf16>, vector<128x128xf32> -> vector<128x128xf32>
    %add3A_209 = arith.addf %dot_general3A_206, %dot_general3A_208 : vector<128x128xf32>
    %slice3A_210 = vector.extract_strided_slice %get3A_8 {offsets = [11, 0], sizes = [1, 128], strides = [1, 1]} : vector<20x128xi32> to vector<1x128xi32>
    %eq3A_211 = vector.broadcast %slice3A_210 : vector<1x128xi32> to vector<128x128xi32>
    %eq3A_212 = arith.cmpi eq, %eq3A_211, %iota3A : vector<128x128xi32>
    %convert_element_type3A_213 = arith.extui %eq3A_212 : vector<128x128xi1> to vector<128x128xi32>
    %convert_element_type3A_214 = arith.sitofp %convert_element_type3A_213 : vector<128x128xi32> to vector<128x128xf32>
    %convert_element_type3A_215 = arith.truncf %convert_element_type3A_214 : vector<128x128xf32> to vector<128x128xbf16>
    %slice3A_216 = vector.extract_strided_slice %get3A_3 {offsets = [11, 0], sizes = [1, 128], strides = [1, 1]} : vector<20x128xi32> to vector<1x128xi32>
    %eq3A_217 = vector.broadcast %slice3A_216 : vector<1x128xi32> to vector<128x128xi32>
    %eq3A_218 = arith.cmpi eq, %eq3A_217, %iota3A : vector<128x128xi32>
    %convert_element_type3A_219 = arith.extui %eq3A_218 : vector<128x128xi1> to vector<128x128xi32>
    %convert_element_type3A_220 = arith.sitofp %convert_element_type3A_219 : vector<128x128xi32> to vector<128x128xf32>
    %convert_element_type3A_221 = arith.truncf %convert_element_type3A_220 : vector<128x128xf32> to vector<128x128xbf16>
    %dot_general3A_222 = arith.constant dense<0.000000e+00> : vector<128x128xf32>
    %dot_general3A_223 = tpu.matmul %convert_element_type3A_215, %get3A_11, %dot_general3A_222 {dimension_numbers = #tpu.dot_dimension_numbers<[0], [0], [1], [1], [0, 1, 1, 1], [], []>, transpose_lhs_hint = false} : vector<128x128xbf16>, vector<128x128xbf16>, vector<128x128xf32> -> vector<128x128xf32>
    %dot_general3A_224 = arith.constant dense<0.000000e+00> : vector<128x128xf32>
    %dot_general3A_225 = tpu.matmul %convert_element_type3A_221, %get3A_14, %dot_general3A_224 {dimension_numbers = #tpu.dot_dimension_numbers<[0], [0], [1], [1], [0, 1, 1, 1], [], []>, transpose_lhs_hint = false} : vector<128x128xbf16>, vector<128x128xbf16>, vector<128x128xf32> -> vector<128x128xf32>
    %add3A_226 = arith.addf %dot_general3A_223, %dot_general3A_225 : vector<128x128xf32>
    %slice3A_227 = vector.extract_strided_slice %get3A_8 {offsets = [12, 0], sizes = [1, 128], strides = [1, 1]} : vector<20x128xi32> to vector<1x128xi32>
    %eq3A_228 = vector.broadcast %slice3A_227 : vector<1x128xi32> to vector<128x128xi32>
    %eq3A_229 = arith.cmpi eq, %eq3A_228, %iota3A : vector<128x128xi32>
    %convert_element_type3A_230 = arith.extui %eq3A_229 : vector<128x128xi1> to vector<128x128xi32>
    %convert_element_type3A_231 = arith.sitofp %convert_element_type3A_230 : vector<128x128xi32> to vector<128x128xf32>
    %convert_element_type3A_232 = arith.truncf %convert_element_type3A_231 : vector<128x128xf32> to vector<128x128xbf16>
    %slice3A_233 = vector.extract_strided_slice %get3A_3 {offsets = [12, 0], sizes = [1, 128], strides = [1, 1]} : vector<20x128xi32> to vector<1x128xi32>
    %eq3A_234 = vector.broadcast %slice3A_233 : vector<1x128xi32> to vector<128x128xi32>
    %eq3A_235 = arith.cmpi eq, %eq3A_234, %iota3A : vector<128x128xi32>
    %convert_element_type3A_236 = arith.extui %eq3A_235 : vector<128x128xi1> to vector<128x128xi32>
    %convert_element_type3A_237 = arith.sitofp %convert_element_type3A_236 : vector<128x128xi32> to vector<128x128xf32>
    %convert_element_type3A_238 = arith.truncf %convert_element_type3A_237 : vector<128x128xf32> to vector<128x128xbf16>
    %dot_general3A_239 = arith.constant dense<0.000000e+00> : vector<128x128xf32>
    %dot_general3A_240 = tpu.matmul %convert_element_type3A_232, %get3A_11, %dot_general3A_239 {dimension_numbers = #tpu.dot_dimension_numbers<[0], [0], [1], [1], [0, 1, 1, 1], [], []>, transpose_lhs_hint = false} : vector<128x128xbf16>, vector<128x128xbf16>, vector<128x128xf32> -> vector<128x128xf32>
    %dot_general3A_241 = arith.constant dense<0.000000e+00> : vector<128x128xf32>
    %dot_general3A_242 = tpu.matmul %convert_element_type3A_238, %get3A_14, %dot_general3A_241 {dimension_numbers = #tpu.dot_dimension_numbers<[0], [0], [1], [1], [0, 1, 1, 1], [], []>, transpose_lhs_hint = false} : vector<128x128xbf16>, vector<128x128xbf16>, vector<128x128xf32> -> vector<128x128xf32>
    %add3A_243 = arith.addf %dot_general3A_240, %dot_general3A_242 : vector<128x128xf32>
    %slice3A_244 = vector.extract_strided_slice %get3A_8 {offsets = [13, 0], sizes = [1, 128], strides = [1, 1]} : vector<20x128xi32> to vector<1x128xi32>
    %eq3A_245 = vector.broadcast %slice3A_244 : vector<1x128xi32> to vector<128x128xi32>
    %eq3A_246 = arith.cmpi eq, %eq3A_245, %iota3A : vector<128x128xi32>
    %convert_element_type3A_247 = arith.extui %eq3A_246 : vector<128x128xi1> to vector<128x128xi32>
    %convert_element_type3A_248 = arith.sitofp %convert_element_type3A_247 : vector<128x128xi32> to vector<128x128xf32>
    %convert_element_type3A_249 = arith.truncf %convert_element_type3A_248 : vector<128x128xf32> to vector<128x128xbf16>
    %slice3A_250 = vector.extract_strided_slice %get3A_3 {offsets = [13, 0], sizes = [1, 128], strides = [1, 1]} : vector<20x128xi32> to vector<1x128xi32>
    %eq3A_251 = vector.broadcast %slice3A_250 : vector<1x128xi32> to vector<128x128xi32>
    %eq3A_252 = arith.cmpi eq, %eq3A_251, %iota3A : vector<128x128xi32>
    %convert_element_type3A_253 = arith.extui %eq3A_252 : vector<128x128xi1> to vector<128x128xi32>
    %convert_element_type3A_254 = arith.sitofp %convert_element_type3A_253 : vector<128x128xi32> to vector<128x128xf32>
    %convert_element_type3A_255 = arith.truncf %convert_element_type3A_254 : vector<128x128xf32> to vector<128x128xbf16>
    %dot_general3A_256 = arith.constant dense<0.000000e+00> : vector<128x128xf32>
    %dot_general3A_257 = tpu.matmul %convert_element_type3A_249, %get3A_11, %dot_general3A_256 {dimension_numbers = #tpu.dot_dimension_numbers<[0], [0], [1], [1], [0, 1, 1, 1], [], []>, transpose_lhs_hint = false} : vector<128x128xbf16>, vector<128x128xbf16>, vector<128x128xf32> -> vector<128x128xf32>
    %dot_general3A_258 = arith.constant dense<0.000000e+00> : vector<128x128xf32>
    %dot_general3A_259 = tpu.matmul %convert_element_type3A_255, %get3A_14, %dot_general3A_258 {dimension_numbers = #tpu.dot_dimension_numbers<[0], [0], [1], [1], [0, 1, 1, 1], [], []>, transpose_lhs_hint = false} : vector<128x128xbf16>, vector<128x128xbf16>, vector<128x128xf32> -> vector<128x128xf32>
    %add3A_260 = arith.addf %dot_general3A_257, %dot_general3A_259 : vector<128x128xf32>
    %slice3A_261 = vector.extract_strided_slice %get3A_8 {offsets = [14, 0], sizes = [1, 128], strides = [1, 1]} : vector<20x128xi32> to vector<1x128xi32>
    %eq3A_262 = vector.broadcast %slice3A_261 : vector<1x128xi32> to vector<128x128xi32>
    %eq3A_263 = arith.cmpi eq, %eq3A_262, %iota3A : vector<128x128xi32>
    %convert_element_type3A_264 = arith.extui %eq3A_263 : vector<128x128xi1> to vector<128x128xi32>
    %convert_element_type3A_265 = arith.sitofp %convert_element_type3A_264 : vector<128x128xi32> to vector<128x128xf32>
    %convert_element_type3A_266 = arith.truncf %convert_element_type3A_265 : vector<128x128xf32> to vector<128x128xbf16>
    %slice3A_267 = vector.extract_strided_slice %get3A_3 {offsets = [14, 0], sizes = [1, 128], strides = [1, 1]} : vector<20x128xi32> to vector<1x128xi32>
    %eq3A_268 = vector.broadcast %slice3A_267 : vector<1x128xi32> to vector<128x128xi32>
    %eq3A_269 = arith.cmpi eq, %eq3A_268, %iota3A : vector<128x128xi32>
    %convert_element_type3A_270 = arith.extui %eq3A_269 : vector<128x128xi1> to vector<128x128xi32>
    %convert_element_type3A_271 = arith.sitofp %convert_element_type3A_270 : vector<128x128xi32> to vector<128x128xf32>
    %convert_element_type3A_272 = arith.truncf %convert_element_type3A_271 : vector<128x128xf32> to vector<128x128xbf16>
    %dot_general3A_273 = arith.constant dense<0.000000e+00> : vector<128x128xf32>
    %dot_general3A_274 = tpu.matmul %convert_element_type3A_266, %get3A_11, %dot_general3A_273 {dimension_numbers = #tpu.dot_dimension_numbers<[0], [0], [1], [1], [0, 1, 1, 1], [], []>, transpose_lhs_hint = false} : vector<128x128xbf16>, vector<128x128xbf16>, vector<128x128xf32> -> vector<128x128xf32>
    %dot_general3A_275 = arith.constant dense<0.000000e+00> : vector<128x128xf32>
    %dot_general3A_276 = tpu.matmul %convert_element_type3A_272, %get3A_14, %dot_general3A_275 {dimension_numbers = #tpu.dot_dimension_numbers<[0], [0], [1], [1], [0, 1, 1, 1], [], []>, transpose_lhs_hint = false} : vector<128x128xbf16>, vector<128x128xbf16>, vector<128x128xf32> -> vector<128x128xf32>
    %add3A_277 = arith.addf %dot_general3A_274, %dot_general3A_276 : vector<128x128xf32>
    %slice3A_278 = vector.extract_strided_slice %get3A_8 {offsets = [15, 0], sizes = [1, 128], strides = [1, 1]} : vector<20x128xi32> to vector<1x128xi32>
    %eq3A_279 = vector.broadcast %slice3A_278 : vector<1x128xi32> to vector<128x128xi32>
    %eq3A_280 = arith.cmpi eq, %eq3A_279, %iota3A : vector<128x128xi32>
    %convert_element_type3A_281 = arith.extui %eq3A_280 : vector<128x128xi1> to vector<128x128xi32>
    %convert_element_type3A_282 = arith.sitofp %convert_element_type3A_281 : vector<128x128xi32> to vector<128x128xf32>
    %convert_element_type3A_283 = arith.truncf %convert_element_type3A_282 : vector<128x128xf32> to vector<128x128xbf16>
    %slice3A_284 = vector.extract_strided_slice %get3A_3 {offsets = [15, 0], sizes = [1, 128], strides = [1, 1]} : vector<20x128xi32> to vector<1x128xi32>
    %eq3A_285 = vector.broadcast %slice3A_284 : vector<1x128xi32> to vector<128x128xi32>
    %eq3A_286 = arith.cmpi eq, %eq3A_285, %iota3A : vector<128x128xi32>
    %convert_element_type3A_287 = arith.extui %eq3A_286 : vector<128x128xi1> to vector<128x128xi32>
    %convert_element_type3A_288 = arith.sitofp %convert_element_type3A_287 : vector<128x128xi32> to vector<128x128xf32>
    %convert_element_type3A_289 = arith.truncf %convert_element_type3A_288 : vector<128x128xf32> to vector<128x128xbf16>
    %dot_general3A_290 = arith.constant dense<0.000000e+00> : vector<128x128xf32>
    %dot_general3A_291 = tpu.matmul %convert_element_type3A_283, %get3A_11, %dot_general3A_290 {dimension_numbers = #tpu.dot_dimension_numbers<[0], [0], [1], [1], [0, 1, 1, 1], [], []>, transpose_lhs_hint = false} : vector<128x128xbf16>, vector<128x128xbf16>, vector<128x128xf32> -> vector<128x128xf32>
    %dot_general3A_292 = arith.constant dense<0.000000e+00> : vector<128x128xf32>
    %dot_general3A_293 = tpu.matmul %convert_element_type3A_289, %get3A_14, %dot_general3A_292 {dimension_numbers = #tpu.dot_dimension_numbers<[0], [0], [1], [1], [0, 1, 1, 1], [], []>, transpose_lhs_hint = false} : vector<128x128xbf16>, vector<128x128xbf16>, vector<128x128xf32> -> vector<128x128xf32>
    %add3A_294 = arith.addf %dot_general3A_291, %dot_general3A_293 : vector<128x128xf32>
    %slice3A_295 = vector.extract_strided_slice %get3A_8 {offsets = [16, 0], sizes = [1, 128], strides = [1, 1]} : vector<20x128xi32> to vector<1x128xi32>
    %eq3A_296 = vector.broadcast %slice3A_295 : vector<1x128xi32> to vector<128x128xi32>
    %eq3A_297 = arith.cmpi eq, %eq3A_296, %iota3A : vector<128x128xi32>
    %convert_element_type3A_298 = arith.extui %eq3A_297 : vector<128x128xi1> to vector<128x128xi32>
    %convert_element_type3A_299 = arith.sitofp %convert_element_type3A_298 : vector<128x128xi32> to vector<128x128xf32>
    %convert_element_type3A_300 = arith.truncf %convert_element_type3A_299 : vector<128x128xf32> to vector<128x128xbf16>
    %slice3A_301 = vector.extract_strided_slice %get3A_3 {offsets = [16, 0], sizes = [1, 128], strides = [1, 1]} : vector<20x128xi32> to vector<1x128xi32>
    %eq3A_302 = vector.broadcast %slice3A_301 : vector<1x128xi32> to vector<128x128xi32>
    %eq3A_303 = arith.cmpi eq, %eq3A_302, %iota3A : vector<128x128xi32>
    %convert_element_type3A_304 = arith.extui %eq3A_303 : vector<128x128xi1> to vector<128x128xi32>
    %convert_element_type3A_305 = arith.sitofp %convert_element_type3A_304 : vector<128x128xi32> to vector<128x128xf32>
    %convert_element_type3A_306 = arith.truncf %convert_element_type3A_305 : vector<128x128xf32> to vector<128x128xbf16>
    %dot_general3A_307 = arith.constant dense<0.000000e+00> : vector<128x128xf32>
    %dot_general3A_308 = tpu.matmul %convert_element_type3A_300, %get3A_11, %dot_general3A_307 {dimension_numbers = #tpu.dot_dimension_numbers<[0], [0], [1], [1], [0, 1, 1, 1], [], []>, transpose_lhs_hint = false} : vector<128x128xbf16>, vector<128x128xbf16>, vector<128x128xf32> -> vector<128x128xf32>
    %dot_general3A_309 = arith.constant dense<0.000000e+00> : vector<128x128xf32>
    %dot_general3A_310 = tpu.matmul %convert_element_type3A_306, %get3A_14, %dot_general3A_309 {dimension_numbers = #tpu.dot_dimension_numbers<[0], [0], [1], [1], [0, 1, 1, 1], [], []>, transpose_lhs_hint = false} : vector<128x128xbf16>, vector<128x128xbf16>, vector<128x128xf32> -> vector<128x128xf32>
    %add3A_311 = arith.addf %dot_general3A_308, %dot_general3A_310 : vector<128x128xf32>
    %slice3A_312 = vector.extract_strided_slice %get3A_8 {offsets = [17, 0], sizes = [1, 128], strides = [1, 1]} : vector<20x128xi32> to vector<1x128xi32>
    %eq3A_313 = vector.broadcast %slice3A_312 : vector<1x128xi32> to vector<128x128xi32>
    %eq3A_314 = arith.cmpi eq, %eq3A_313, %iota3A : vector<128x128xi32>
    %convert_element_type3A_315 = arith.extui %eq3A_314 : vector<128x128xi1> to vector<128x128xi32>
    %convert_element_type3A_316 = arith.sitofp %convert_element_type3A_315 : vector<128x128xi32> to vector<128x128xf32>
    %convert_element_type3A_317 = arith.truncf %convert_element_type3A_316 : vector<128x128xf32> to vector<128x128xbf16>
    %slice3A_318 = vector.extract_strided_slice %get3A_3 {offsets = [17, 0], sizes = [1, 128], strides = [1, 1]} : vector<20x128xi32> to vector<1x128xi32>
    %eq3A_319 = vector.broadcast %slice3A_318 : vector<1x128xi32> to vector<128x128xi32>
    %eq3A_320 = arith.cmpi eq, %eq3A_319, %iota3A : vector<128x128xi32>
    %convert_element_type3A_321 = arith.extui %eq3A_320 : vector<128x128xi1> to vector<128x128xi32>
    %convert_element_type3A_322 = arith.sitofp %convert_element_type3A_321 : vector<128x128xi32> to vector<128x128xf32>
    %convert_element_type3A_323 = arith.truncf %convert_element_type3A_322 : vector<128x128xf32> to vector<128x128xbf16>
    %dot_general3A_324 = arith.constant dense<0.000000e+00> : vector<128x128xf32>
    %dot_general3A_325 = tpu.matmul %convert_element_type3A_317, %get3A_11, %dot_general3A_324 {dimension_numbers = #tpu.dot_dimension_numbers<[0], [0], [1], [1], [0, 1, 1, 1], [], []>, transpose_lhs_hint = false} : vector<128x128xbf16>, vector<128x128xbf16>, vector<128x128xf32> -> vector<128x128xf32>
    %dot_general3A_326 = arith.constant dense<0.000000e+00> : vector<128x128xf32>
    %dot_general3A_327 = tpu.matmul %convert_element_type3A_323, %get3A_14, %dot_general3A_326 {dimension_numbers = #tpu.dot_dimension_numbers<[0], [0], [1], [1], [0, 1, 1, 1], [], []>, transpose_lhs_hint = false} : vector<128x128xbf16>, vector<128x128xbf16>, vector<128x128xf32> -> vector<128x128xf32>
    %add3A_328 = arith.addf %dot_general3A_325, %dot_general3A_327 : vector<128x128xf32>
    %slice3A_329 = vector.extract_strided_slice %get3A_8 {offsets = [18, 0], sizes = [1, 128], strides = [1, 1]} : vector<20x128xi32> to vector<1x128xi32>
    %eq3A_330 = vector.broadcast %slice3A_329 : vector<1x128xi32> to vector<128x128xi32>
    %eq3A_331 = arith.cmpi eq, %eq3A_330, %iota3A : vector<128x128xi32>
    %convert_element_type3A_332 = arith.extui %eq3A_331 : vector<128x128xi1> to vector<128x128xi32>
    %convert_element_type3A_333 = arith.sitofp %convert_element_type3A_332 : vector<128x128xi32> to vector<128x128xf32>
    %convert_element_type3A_334 = arith.truncf %convert_element_type3A_333 : vector<128x128xf32> to vector<128x128xbf16>
    %slice3A_335 = vector.extract_strided_slice %get3A_3 {offsets = [18, 0], sizes = [1, 128], strides = [1, 1]} : vector<20x128xi32> to vector<1x128xi32>
    %eq3A_336 = vector.broadcast %slice3A_335 : vector<1x128xi32> to vector<128x128xi32>
    %eq3A_337 = arith.cmpi eq, %eq3A_336, %iota3A : vector<128x128xi32>
    %convert_element_type3A_338 = arith.extui %eq3A_337 : vector<128x128xi1> to vector<128x128xi32>
    %convert_element_type3A_339 = arith.sitofp %convert_element_type3A_338 : vector<128x128xi32> to vector<128x128xf32>
    %convert_element_type3A_340 = arith.truncf %convert_element_type3A_339 : vector<128x128xf32> to vector<128x128xbf16>
    %dot_general3A_341 = arith.constant dense<0.000000e+00> : vector<128x128xf32>
    %dot_general3A_342 = tpu.matmul %convert_element_type3A_334, %get3A_11, %dot_general3A_341 {dimension_numbers = #tpu.dot_dimension_numbers<[0], [0], [1], [1], [0, 1, 1, 1], [], []>, transpose_lhs_hint = false} : vector<128x128xbf16>, vector<128x128xbf16>, vector<128x128xf32> -> vector<128x128xf32>
    %dot_general3A_343 = arith.constant dense<0.000000e+00> : vector<128x128xf32>
    %dot_general3A_344 = tpu.matmul %convert_element_type3A_340, %get3A_14, %dot_general3A_343 {dimension_numbers = #tpu.dot_dimension_numbers<[0], [0], [1], [1], [0, 1, 1, 1], [], []>, transpose_lhs_hint = false} : vector<128x128xbf16>, vector<128x128xbf16>, vector<128x128xf32> -> vector<128x128xf32>
    %add3A_345 = arith.addf %dot_general3A_342, %dot_general3A_344 : vector<128x128xf32>
    %slice3A_346 = vector.extract_strided_slice %get3A_8 {offsets = [19, 0], sizes = [1, 128], strides = [1, 1]} : vector<20x128xi32> to vector<1x128xi32>
    %eq3A_347 = vector.broadcast %slice3A_346 : vector<1x128xi32> to vector<128x128xi32>
    %eq3A_348 = arith.cmpi eq, %eq3A_347, %iota3A : vector<128x128xi32>
    %convert_element_type3A_349 = arith.extui %eq3A_348 : vector<128x128xi1> to vector<128x128xi32>
    %convert_element_type3A_350 = arith.sitofp %convert_element_type3A_349 : vector<128x128xi32> to vector<128x128xf32>
    %convert_element_type3A_351 = arith.truncf %convert_element_type3A_350 : vector<128x128xf32> to vector<128x128xbf16>
    %slice3A_352 = vector.extract_strided_slice %get3A_3 {offsets = [19, 0], sizes = [1, 128], strides = [1, 1]} : vector<20x128xi32> to vector<1x128xi32>
    %eq3A_353 = vector.broadcast %slice3A_352 : vector<1x128xi32> to vector<128x128xi32>
    %eq3A_354 = arith.cmpi eq, %eq3A_353, %iota3A : vector<128x128xi32>
    %convert_element_type3A_355 = arith.extui %eq3A_354 : vector<128x128xi1> to vector<128x128xi32>
    %convert_element_type3A_356 = arith.sitofp %convert_element_type3A_355 : vector<128x128xi32> to vector<128x128xf32>
    %convert_element_type3A_357 = arith.truncf %convert_element_type3A_356 : vector<128x128xf32> to vector<128x128xbf16>
    %dot_general3A_358 = arith.constant dense<0.000000e+00> : vector<128x128xf32>
    %dot_general3A_359 = tpu.matmul %convert_element_type3A_351, %get3A_11, %dot_general3A_358 {dimension_numbers = #tpu.dot_dimension_numbers<[0], [0], [1], [1], [0, 1, 1, 1], [], []>, transpose_lhs_hint = false} : vector<128x128xbf16>, vector<128x128xbf16>, vector<128x128xf32> -> vector<128x128xf32>
    %dot_general3A_360 = arith.constant dense<0.000000e+00> : vector<128x128xf32>
    %dot_general3A_361 = tpu.matmul %convert_element_type3A_357, %get3A_14, %dot_general3A_360 {dimension_numbers = #tpu.dot_dimension_numbers<[0], [0], [1], [1], [0, 1, 1, 1], [], []>, transpose_lhs_hint = false} : vector<128x128xbf16>, vector<128x128xbf16>, vector<128x128xf32> -> vector<128x128xf32>
    %add3A_362 = arith.addf %dot_general3A_359, %dot_general3A_361 : vector<128x128xf32>
    %concatenate3A = tpu.concatenate %add3A_39, %add3A_56, %add3A_73, %add3A_90, %add3A_107, %add3A_124, %add3A_141, %add3A_158, %add3A_175, %add3A_192, %add3A_209, %add3A_226, %add3A_243, %add3A_260, %add3A_277, %add3A_294, %add3A_311, %add3A_328, %add3A_345, %add3A_362 in 0 : vector<128x128xf32>, vector<128x128xf32>, vector<128x128xf32>, vector<128x128xf32>, vector<128x128xf32>, vector<128x128xf32>, vector<128x128xf32>, vector<128x128xf32>, vector<128x128xf32>, vector<128x128xf32>, vector<128x128xf32>, vector<128x128xf32>, vector<128x128xf32>, vector<128x128xf32>, vector<128x128xf32>, vector<128x128xf32>, vector<128x128xf32>, vector<128x128xf32>, vector<128x128xf32>, vector<128x128xf32> -> vector<2560x128xf32>
    %add3A_363 = arith.addf %add3A_25, %concatenate3A : vector<2560x128xf32>
    %neg3A = arith.constant 0.000000e+00 : f32
    %neg3A_364 = vector.broadcast %neg3A : f32 to vector<2560x128xf32>
    %neg3A_365 = arith.subf %neg3A_364, %add3A_363 : vector<2560x128xf32>
    %exp3A = math.exp %neg3A_365 : vector<2560x128xf32>
    %add3A_366 = arith.constant 1.000000e+00 : f32
    %add3A_367 = vector.broadcast %add3A_366 : f32 to vector<2560x128xf32>
    %add3A_368 = arith.addf %add3A_367, %exp3A : vector<2560x128xf32>
    %div3A = arith.constant 1.000000e+00 : f32
    %div3A_369 = vector.broadcast %div3A : f32 to vector<2560x128xf32>
    %div3A_370 = arith.divf %div3A_369, %add3A_368 : vector<2560x128xf32>
    %mul3A = arith.mulf %add3A_363, %div3A_370 : vector<2560x128xf32>
    %swap3A = arith.constant 0 : index
    %swap3A_371 = arith.constant 0 : index
    %swap3A_372 = vector.load %arg8[%swap3A, %swap3A_371] : memref<2560x128xf32, #tpu.memory_space<vmem>>, vector<2560x128xf32>
    tpu.vector_store %arg8[%swap3A, %swap3A_371], %mul3A {strides = array<i32>} : memref<2560x128xf32, #tpu.memory_space<vmem>>, vector<2560x128xf32>,
    return
  }
  func.func @transform_0(%arg0: i32) -> (i32, i32, i32) {
    %c0_i32 = arith.constant 0 : i32
    %c0_i32_0 = arith.constant 0 : i32
    %c0_i32_1 = arith.constant 0 : i32
    return %arg0, %c0_i32, %c0_i32_0 : i32, i32, i32
  }
  func.func @transform_1(%arg0: i32) -> (i32, i32, i32) {
    %c0_i32 = arith.constant 0 : i32
    %c0_i32_0 = arith.constant 0 : i32
    %c0_i32_1 = arith.constant 0 : i32
    return %arg0, %c0_i32, %c0_i32_0 : i32, i32, i32
  }
  func.func @transform_2(%arg0: i32) -> (i32, i32) {
    %c0_i32 = arith.constant 0 : i32
    %c0_i32_0 = arith.constant 0 : i32
    return %arg0, %c0_i32 : i32, i32
  }
  func.func @transform_3(%arg0: i32) -> (i32, i32) {
    %c0_i32 = arith.constant 0 : i32
    %c0_i32_0 = arith.constant 0 : i32
    %c0_i32_1 = arith.constant 0 : i32
    return %c0_i32, %c0_i32_0 : i32, i32
  }
  func.func @transform_4(%arg0: i32) -> (i32, i32) {
    %c0_i32 = arith.constant 0 : i32
    %c0_i32_0 = arith.constant 0 : i32
    %c0_i32_1 = arith.constant 0 : i32
    return %c0_i32, %c0_i32_0 : i32, i32
  }
  func.func @transform_5(%arg0: i32) -> (i32, i32) {
    %c0_i32 = arith.constant 0 : i32
    %c0_i32_0 = arith.constant 0 : i32
    %c0_i32_1 = arith.constant 0 : i32
    return %c0_i32, %c0_i32_0 : i32, i32
  }
  func.func @transform_6(%arg0: i32) -> (i32, i32) {
    %c0_i32 = arith.constant 0 : i32
    %c0_i32_0 = arith.constant 0 : i32
    %c0_i32_1 = arith.constant 0 : i32
    return %c0_i32, %c0_i32_0 : i32, i32
  }
  func.func @transform_7(%arg0: i32) -> (i32, i32) {
    %c0_i32 = arith.constant 0 : i32
    %c0_i32_0 = arith.constant 0 : i32
    return %arg0, %c0_i32 : i32, i32
  }
}

</mosaic_0001>

<sc_bundles>
// kernel: kernel.5.cloned.1.call-start
scs
__scs_entry_jumppad:
0x0: {  	(pc) =	sbr.rel $0x88, $3  }
0x1: {  	(tag) =	ssettag $0x0;
	lr =	simm.s32 $0x1  }
0x2: {  	[smem:$0x3F99] =	sst lr;
	_ =	strace $0xD0000000  }
0x3: {  	_ = 	snop  }
0x4: {  	_ = 	snop  }
0x5: {  	_ = 	snop  }
0x6: {  	_ = 	snop  }
0x7: {  	_ = 	snop  }
__scs_overlays_trampoline_lowered:
0x8: {  	[smem:$0x3FA8] =	sst s0  }
0x9: {  	[smem:$0x3FA9] =	sst s1  }
0xa: {  	[smem:$0x3FAA] =	sst s2  }
0xb: {  	[smem:$0x3FAB] =	sst s3  }
0xc: {  	[smem:$0x3FAC] =	sst s4  }
0xd: {  	[smem:$0x3FAD] =	sst s5  }
0xe: {  	[smem:$0x3FAE] =	sst s6  }
0xf: {  	[smem:$0x3FAF] =	sst s7  }
0x10: {  	[smem:$0x3FB0] =	sst s8  }
0x11: {  	[smem:$0x3FB1] =	sst s9;
	s0 =	simm.s32 @!p0 $0x0  }
0x12: {  	s1 =	sld [smem:$0x3F97];
	s0 =	simm.s32 @p0 $0x1  }
0x13: {  	[smem:$0x3FB2] =	sst s0;
	s0 =	simm.s32 @!p1 $0x0  }
0x14: {  	s2 =	sld [smem:$0x3F96];
	s0 =	simm.s32 @p1 $0x1  }
0x15: {  	[smem:$0x3FB3] =	sst s0;
	s0 =	simm.s32 @!p2 $0x0  }
0x16: {  	s3 =	sld [smem:$0x3FDB];
	s0 =	simm.s32 @p2 $0x1  }
0x17: {  	s4 =	simm.s32 $0x1BF5;
	[smem:$0x3FB5] =	sst s0  }
0x18: {  	s0 =	sld [smem:$0x3F98];
	_ =	swait.ge [sflag:s4], $0x0  }
0x19: {  	s7 =	sld [smem:$0x3F99]  }
0x1a: {  	s8 =	sadd.s32 $0xFFFFE003, lr  }
0x1b: {  	s9 =	sadd.s32 $0xFFFFFEF7, lr;
	s5 =	simm.s32 $0xFFFFFFFF;
	p2 =	slt.u32 s8, $0xFFFFF086  }
0x1c: {  	p1 =	slt.u32 s9, $0xF7A;
	s5 =	simm.s32 @!p2 $0x0  }
0x1d: {  	s5 =	simm.s32 @p1 $0x1;
	p0 =	seq.s32 s7, s2  }
0x1e: {  	s7 =	smul.u32 @!p0 $0xF7A, s2;
	p2 =	seq.s32 @!p0 s5, $0x0  }
0x1f: {  	s9 =	smul.u32 $0xF7A, s1;
	s8 =	simm.s32 @!p0 $0x1BF5;
	p2 =	por !p2, p0  }
0x20: {  	[sflag:s8] =	ssyncset.s32 @!p0 $0xFFFFF086;
	s6 =	sadd.s32 @!p0 s3, s7;
	s7 =	simm.s32 @!p0 $0x108  }
0x21: {  	s3 =	sadd.s32 s3, s9;
	s6 =	sadd.s32 @!p0 $0x88, s6;
	s7 =	simm.s32 @p2 $0x1082  }
0x22: {  	[simem:s7], [sflag:s8] =	dma.local @!p0 [hbm:s6], $0xF7A  }
0x23: {  	s9 =	sor.u32 $0xD0000000, s2;
	s6 =	simm.s32 $0x108;
	_ =	swait.ge @!p0 [sflag:s8], $0x0  }
0x24: {  	s3 =	sadd.s32 $0x88, s3;
	s6 =	simm.s32 @!p1 $0x1082;
	[sflag:s4] =	ssyncset.s32 $0xFFFFF086  }
0x25: {  	[simem:s6], [sflag:s4] =	dma.local [hbm:s3], $0xF7A  }
0x26: {  	[smem:$0x3F99] =	sst s1;
	(tag) =	ssettag s2;
	_ =	strace s9  }
0x27: {  	s1 =	sld [smem:$0x3FA9]  }
0x28: {  	s2 =	sld [smem:$0x3FAA]  }
0x29: {  	s4 =	sld [smem:$0x3FAC]  }
0x2a: {  	p0 =	seq.s32 s5, $0x0;
	s5 =	sld [smem:$0x3FAD]  }
0x2b: {  	s6 =	sld [smem:$0x3FAE]  }
0x2c: {  	s7 =	sld [smem:$0x3FAF]  }
0x2d: {  	s3 =	simm.s32 $0x108;
	s8 =	sld [smem:$0x3FB0]  }
0x2e: {  	s3 =	simm.s32 @!p0 $0x1082;
	s9 =	sld [smem:$0x3FB1]  }
0x2f: {  	lr =	sadd.s32 s0, s3;
	s0 =	sld [smem:$0x3FA8]  }
0x30: {  	s3 =	sld [smem:$0x3FAB]  }
0x31: {  	[smem:$0x3FB4] =	sst s10  }
0x32: {  	s10 =	sld [smem:$0x3FB2];
	_ =	sdelay $0x3  }
0x33: {  	p0 =	seq.s32 s10, $0x1;
	s10 =	sld [smem:$0x3FB4];
	_ =	sdelay $0x3  }
0x34: {  	[smem:$0x3FB4] =	sst s10  }
0x35: {  	s10 =	sld [smem:$0x3FB3];
	_ =	sdelay $0x3  }
0x36: {  	p1 =	seq.s32 s10, $0x1;
	s10 =	sld [smem:$0x3FB4];
	_ =	sdelay $0x3  }
0x37: {  	[smem:$0x3FB4] =	sst s10  }
0x38: {  	s10 =	sld [smem:$0x3FB5]  }
0x39: {  	_ = 	snop;
	(pc) =	sbr.ind lr, $3  }
0x3a: {  	_ = 	snop  }
0x3b: {  	_ = 	snop  }
0x3c: {  	p2 =	seq.s32 s10, $0x1;
	s10 =	sld [smem:$0x3FB4]  }
0x3d: {  	_ =	shalt  }
0x3e: {  	_ =	shalt  }
0x3f: {  	_ =	shalt  }
0x40: {  	_ =	shalt  }
0x41: {  	_ =	shalt  }
0x42: {  	_ =	shalt  }
0x43: {  	_ =	shalt  }
0x44: {  	_ =	shalt  }
0x45: {  	_ =	shalt  }
0x46: {  	_ =	shalt  }
0x47: {  	_ =	shalt  }
0x48: {  	_ =	shalt  }
0x49: {  	_ =	shalt  }
0x4a: {  	_ =	shalt  }
0x4b: {  	_ =	shalt  }
0x4c: {  	_ =	shalt  }
0x4d: {  	_ =	shalt  }
0x4e: {  	_ =	shalt  }
0x4f: {  	_ =	shalt  }
0x50: {  	_ =	shalt  }
0x51: {  	_ =	shalt  }
0x52: {  	_ =	shalt  }
0x53: {  	_ =	shalt  }
0x54: {  	_ =	shalt  }
0x55: {  	_ =	shalt  }
0x56: {  	_ =	shalt  }
0x57: {  	_ =	shalt  }
0x58: {  	_ =	shalt  }
0x59: {  	_ =	shalt  }
0x5a: {  	_ =	shalt  }
0x5b: {  	_ =	shalt  }
0x5c: {  	_ =	shalt  }
0x5d: {  	_ =	shalt  }
0x5e: {  	_ =	shalt  }
0x5f: {  	_ =	shalt  }
0x60: {  	_ =	shalt  }
0x61: {  	_ =	shalt  }
0x62: {  	_ =	shalt  }
0x63: {  	_ =	shalt  }
0x64: {  	_ =	shalt  }
0x65: {  	_ =	shalt  }
0x66: {  	_ =	shalt  }
0x67: {  	_ =	shalt  }
0x68: {  	_ =	shalt  }
0x69: {  	_ =	shalt  }
0x6a: {  	_ =	shalt  }
0x6b: {  	_ =	shalt  }
0x6c: {  	_ =	shalt  }
0x6d: {  	_ =	shalt  }
0x6e: {  	_ =	shalt  }
0x6f: {  	_ =	shalt  }
0x70: {  	_ =	shalt  }
0x71: {  	_ =	shalt  }
0x72: {  	_ =	shalt  }
0x73: {  	_ =	shalt  }
0x74: {  	_ =	shalt  }
0x75: {  	_ =	shalt  }
0x76: {  	_ =	shalt  }
0x77: {  	_ =	shalt  }
0x78: {  	_ =	shalt  }
0x79: {  	_ =	shalt  }
0x7a: {  	_ =	shalt  }
0x7b: {  	_ =	shalt  }
0x7c: {  	_ =	shalt  }
0x7d: {  	_ =	shalt  }
0x7e: {  	_ =	shalt  }
0x7f: {  	_ =	shalt  }
0x80: {  	_ =	shalt  }
0x81: {  	_ =	shalt  }
0x82: {  	_ =	shalt  }
0x83: {  	_ =	shalt  }
0x84: {  	_ =	shalt  }
0x85: {  	_ =	shalt  }
0x86: {  	_ =	shalt  }
0x87: {  	_ =	shalt  }
.Lfunc_end0:
.L_simem_size_0:
called_computation_lowered:
.L_overlay_start_0:
0x88: {  	s2 =	sld [smem:$0x3FD9]  }
0x89: {  	s3 =	sld [smem:$0x3FFE];
	_ =	sdelay $0x1  }
0x8a: {  	s1 =	srdreg.scid  }
0x8b: {  	s0 =	sand.u32 $0x1, s1  }
0x8c: {  	s17 =	sshll.u32 s0, $0xA;
	s2 =	sadd.s32 s3, s2  }
0x8d: {  	s2 =	sadd.s32 s2, s17  }
0x8e: {  	[smem:$0x3FC0] =	sst s2  }
0x8f: {  	_ = 	snop  }
0x90: {  	s2 =	sld [smem:$0x3FC9]  }
0x91: {  	s18 =	sld [smem:$0x3FC7]  }
0x92: {  	s4 =	sld [smem:$0x3FC6]  }
0x93: {  	s5 =	sld [smem:$0x3FD0];
	(tm) =	ssettm $0x1  }
0x94: {  	s6 =	sld [smem:$0x3FFB];
	_ =	sdelay $0x3  }
0x95: {  	_ =	strace s6  }
0x96: {  	s6 =	sld [smem:$0x3FFC];
	_ =	sdelay $0x3  }
0x97: {  	_ =	strace s6  }
0x98: {  	s6 =	sld [smem:$0x3FFD];
	_ =	sdelay $0x3  }
0x99: {  	_ =	strace s6  }
0x9a: {  	_ =	strace $0x8FFFFFFF  }
0x9b: {  	s19 =	sld [smem:$0x3FDB];
	_ =	sdelay $0x1  }
0x9c: {  	s7 =	simm.s32 $_scs_section_size  }
0x9d: {  	s8 =	simm.s32 $_size__tile_overlayer_lowered;
	s9 =	simm.s32 $_tile_overlayer_lowered  }
0x9e: {  	s22 =	simm.s32 $0x1BFF;
	s21 =	sshll.u32 s9, $0x1;
	s6 =	sadd.s32 s7, s19  }
0x9f: {  	s10 =	simm.s32 $0x0;
	s20 =	sshll.u32 s8, $0x1;
	s8 =	sadd.s32 s21, s6  }
0xa0: {  	[timem:s10], [sflag:s22] =	dma.local [hbm:s8], s20  }
0xa1: {  	_ =	swait.ge [sflag:s22], s20  }
0xa2: {  	s7 =	ssub.s32 $0x0, s20;
	[sflag:s22] =	ssyncset.done $0x0  }
0xa3: {  	[sflag:s22] =	ssyncadd.s32 s7;
	_ =	sdelay $0x1  }
0xa4: {  	s23 =	simm.s32 $0x1B8B  }
0xa5: {  	_ =	swait.ge [sflag:s23], $0x1  }
0xa6: {  	[sflag:s23] =	ssyncset.done $0x0  }
0xa7: {  	s25 =	simm.s32 $0x1B8E;
	s24 =	sld [smem:$0x3FFE];
	[sflag:s23] =	ssyncadd.s32 $0xFFFFFFFF  }
0xa8: {  	s26 =	simm.s32 $execute0_lowered;
	[smem:$0x3FD2] =	sst s25  }
0xa9: {  	s8 =	sshll.u32 s26, $0x1;
	_ =	strace $0x80000046;
	[dreg:$0x1] =	wrdreg $0xFFFFFFFF  }
0xaa: {  	s28 =	simm.s32 $_size_execute0_lowered;
	s6 =	sadd.s32 s6, s8;
	[dreg:$0x0] =	wrdreg $0x0  }
0xab: {  	s8 =	sshll.u32 s28, $0x1;
	[dreg:$0x2] =	wrdreg s6  }
0xac: {  	[dreg:$0x3] =	wrdreg s8  }
0xad: {  	[dreg:$0x4] =	wrdreg $0xC0  }
0xae: {  	_ =	task [dreg:s10], $0x5FFFF  }
0xaf: {  	[dreg:$0x1] =	wrdreg $0xFFFFFFFF  }
0xb0: {  	[dreg:$0x0] =	wrdreg $0x60  }
0xb1: {  	[dreg:$0x2] =	wrdreg s2  }
0xb2: {  	[dreg:$0x3] =	wrdreg s18  }
0xb3: {  	[dreg:$0x4] =	wrdreg s4  }
0xb4: {  	[dreg:$0x5] =	wrdreg s5  }
0xb5: {  	[dreg:$0x6] =	wrdreg s24  }
0xb6: {  	[dreg:$0x7] =	wrdreg $0x9  }
0xb7: {  	_ =	task.clear_ibuf [dreg:s10], $0x8FFFF;
	_ =	strace $0x90000046  }
0xb8: {  	s29 =	simm.s32 $0x9;
	_ =	strace $0x80000048  }
0xb9: {  	_ =	swait.ge [sflag:s29], $0x1  }
0xba: {  	[sflag:s29] =	ssyncadd.s32 $0xFFFFFFFF  }
0xbb: {  	_ =	strace $0x90000048  }
0xbc: {  	_ =	sfence  }
0xbd: {  	s30 =	sld [smem:$0x0];
	_ =	sdelay $0x2  }
0xbe: {  	s31 =	sshll.u32 s1, $0xD;
	s1 =	sshrl.u32 s1, $0x2  }
0xbf: {  	s3 =	sand.u32 $0x4000, s31;
	s1 =	sadd.s32 s1, s30  }
0xc0: {  	s0 =	sor.u32 s3, s0;
	s1 =	sshll.u32 s1, $0x11  }
0xc1: {  	s0 =	sor.u32 s1, s0  }
0xc2: {  	s0 =	sadd.s32 $0x8F2B, s0  }
0xc3: {  	[sflag:s0] =	ssyncadd.remote.s32 $0x1  }
0xc4: {  	_ =	sfence.sel $0xFFFF  }
0xc5: {  	[dreg:$0x0] =	wrdreg $0xFFFFFFFF;
	(pc) =	sbr.abs _section_cstart, $3  }
0xc6: {  	[dreg:$0x1] =	wrdreg $0xFFFFFFFF  }
0xc7: {  	_ =	task.clear_ibuf [dreg:s10], $0x2FFFF;
	_ =	strace $0x9FFFFFFF  }
0xc8: {  	(tm) =	ssettm $0x7FFFFFFF  }
0xc9: {  	_ =	shalt  }
tec
execute0_lowered:
.L_overlay_start_1:
0x0: {  	(tag) =	ssettag $0x1  }
0x1: {  	s0 =	rddreg [dreg:$0x0]  }
0x2: {  	s4 =	rddreg [dreg:$0x1]  }
0x3: {  	s6 =	rddreg [dreg:$0x2]  }
0x4: {  	s5 =	rddreg [dreg:$0x3];
	s2 =	srdreg.scid  }
0x5: {  	s1 =	stileid.u32;
	s7 =	rddreg [dreg:$0x4]  }
0x6: {  	s11 =	simm.s32 $0x4F00;
	s8 =	sand.u32 $0x1, s2;
	s3 =	sshll.u32 s1, $0x1  }
0x7: {  	s12 =	simm.s32 $0x0;
	s9 =	sor.u32 s8, s3;
	s3 =	simm.s32 $0x0  }
0x8: {  	s8 =	ssub.s32 $0x2, s8;
	s9 =	smul.u32 $0x4E2, s9;
	[smem:$0x7FF] =	sst s3  }
0x9: {  	s2 =	rddreg [dreg:$0x5];
	s10 =	sshrl.u32 s8, $0x1;
	_ =	strace $0x80000047  }
0xa: {  	s8 =	ssub.s32 s8, s10;
	s10 =	simm.s32 $0x2780;
	s7 =	sadd.s32 s9, s7  }
0xb: {  	s4 =	sadd.s32 s4, s9;
	s5 =	sadd.s32 s5, s9;
	s6 =	sadd.s32 s6, s9  }
0xc: {  	s8 =	smax.u32 s8, $0x1;
	s9 =	simm.s32 $0x1;
	s7 =	sadd.s32 $0x1400, s7  }
.LBB2_1:
0xd: {  	[tilespmem:s3], [sflag:$0x1] =	stream.linear.gather [hbm4b:s0+s3], $0x2780, $0x38;
	[tilespmem:$0x7680] =	vst v63  }
0xe: {  	_ =	swait.ge [sflag:s9], $0x2780  }
0xf: {  	[sflag:s9] =	ssyncset.done $0x0  }
0x10: {  	[sflag:s9] =	ssyncadd.s32 $0xFFFFD880  }
0x11: {  	[tilespmem:s10], [sflag:$0x1] =	stream.linear.gather [hbm4b:s4+s3], $0x2710, $0x38;
	[tilespmem:$0x7680] =	vst v63  }
0x12: {  	_ =	swait.ge [sflag:s9], $0x2710  }
0x13: {  	[sflag:s9] =	ssyncset.done $0x0  }
0x14: {  	s13 =	simm.s32 $0x0;
	[sflag:s9] =	ssyncadd.s32 $0xFFFFD8F0  }
0x15: {  	v0 =	vld [tilespmem:s13+$0x2780];
	_ =	sdelay $0x6  }
0x16: {  	v1 =	vld [tilespmem:s13+$0x2790]  }
0x17: {  	v0 =	vld.idx.msk [tilespmem:v0+s3+$0x0], $0xffff;
	_ =	sdelay $0x4  }
0x18: {  	[tilespmem:s13+$0x4F00] =	vst v0;
	v0 =	vld [tilespmem:s13+$0x27A0];
	_ =	sdelay $0x1  }
0x19: {  	v1 =	vld.idx.msk [tilespmem:v1+s3+$0x0], $0xffff;
	_ =	sdelay $0x4  }
0x1a: {  	[tilespmem:s13+$0x4F10] =	vst v1;
	v1 =	vld [tilespmem:s13+$0x27B0]  }
0x1b: {  	v0 =	vld.idx.msk [tilespmem:v0+s3+$0x0], $0xffff;
	_ =	sdelay $0x4  }
0x1c: {  	[tilespmem:s13+$0x4F20] =	vst v0;
	v0 =	vld [tilespmem:s13+$0x27C0];
	_ =	sdelay $0x1  }
0x1d: {  	v1 =	vld.idx.msk [tilespmem:v1+s3+$0x0], $0xffff;
	_ =	sdelay $0x3  }
0x1e: {  	s15 =	simm.s32 $0x50;
	s14 =	simm.s32 $0x280  }
.LBB2_2:
0x1f: {  	p0 =	sne.s32 s14, $0x9B00;
	v2 =	vld [tilespmem:s15+$0x2780];
	[tilespmem:s13+$0x4F30] =	vst v1  }
0x20: {  	v0 =	vld.idx.msk [tilespmem:v0+s3+$0x0], $0xffff;
	_ =	sdelay $0x5  }
0x21: {  	v1 =	vld [tilespmem:s15+$0x2790];
	[tilespmem:s13+$0x4F40] =	vst v0;
	s13 =	smov.u32 s15  }
0x22: {  	v0 =	vld.idx.msk [tilespmem:v2+s3+$0x0], $0xffff;
	_ =	sdelay $0x5  }
0x23: {  	[tilespmem:s13+$0x4F00] =	vst v0;
	v0 =	vld [tilespmem:s13+$0x27A0]  }
0x24: {  	v1 =	vld.idx.msk [tilespmem:v1+s3+$0x0], $0xffff;
	_ =	sdelay $0x5  }
0x25: {  	[tilespmem:s13+$0x4F10] =	vst v1;
	v1 =	vld [tilespmem:s13+$0x27B0]  }
0x26: {  	v0 =	vld.idx.msk [tilespmem:v0+s3+$0x0], $0xffff;
	_ =	sdelay $0x5  }
0x27: {  	[tilespmem:s13+$0x4F20] =	vst v0;
	v0 =	vld [tilespmem:s13+$0x27C0]  }
0x28: {  	v1 =	vld.idx.msk [tilespmem:v1+s3+$0x0], $0xffff  }
.Ltmp0:
0x29: {  	(pc) =	sbr.rel @p0 .LBB2_2-.Ltmp0, $2  }
0x2a: {  	_ =	sdelay $0x2  }
0x2b: {  	s15 =	sshra.s32 s14, $0x2;
	s14 =	sadd.s32 $0x140, s14  }
0x2c: {  	_ =	sdelay $0x1  }
0x2d: {  	v2 =	vld [tilespmem:s15+$0x2780]  }
0x2e: {  	[tilespmem:s13+$0x4F30] =	vst v1  }
0x2f: {  	v0 =	vld.idx.msk [tilespmem:v0+s3+$0x0], $0xffff;
	_ =	sdelay $0x4  }
0x30: {  	v1 =	vld [tilespmem:s15+$0x2790];
	[tilespmem:s13+$0x4F40] =	vst v0  }
0x31: {  	v0 =	vld.idx.msk [tilespmem:v2+s3+$0x0], $0xffff;
	_ =	sdelay $0x4  }
0x32: {  	[tilespmem:s15+$0x4F00] =	vst v0;
	v0 =	vld [tilespmem:s15+$0x27A0];
	_ =	sdelay $0x1  }
0x33: {  	v1 =	vld.idx.msk [tilespmem:v1+s3+$0x0], $0xffff;
	_ =	sdelay $0x4  }
0x34: {  	[tilespmem:s15+$0x4F10] =	vst v1;
	v1 =	vld [tilespmem:s15+$0x27B0]  }
0x35: {  	v0 =	vld.idx.msk [tilespmem:v0+s3+$0x0], $0xffff;
	_ =	sdelay $0x4  }
0x36: {  	[tilespmem:s15+$0x4F20] =	vst v0;
	v0 =	vld [tilespmem:s15+$0x27C0];
	_ =	sdelay $0x1  }
0x37: {  	v1 =	vld.idx.msk [tilespmem:v1+s3+$0x0], $0xffff;
	_ =	sdelay $0x4  }
0x38: {  	[tilespmem:s15+$0x4F30] =	vst v1  }
0x39: {  	v0 =	vld.idx.msk [tilespmem:v0+s3+$0x0], $0xffff;
	_ =	sdelay $0x4  }
0x3a: {  	s31 =	simm.s32 $0x0;
	[tilespmem:s15+$0x4F40] =	vst v0  }
0x3b: {  	[hbm4b:s5+s31] =	stream.linear.scatter [tilespmem:s11], [sflag:$0x1], $0x2710, $0x38;
	[tilespmem:$0x7680] =	vst v63  }
0x3c: {  	_ =	swait.ge [sflag:s9], $0x2710  }
0x3d: {  	[sflag:s9] =	ssyncset.done $0x0  }
0x3e: {  	[sflag:s9] =	ssyncadd.s32 $0xFFFFD8F0  }
0x3f: {  	[tilespmem:s10], [sflag:$0x1] =	stream.linear.gather [hbm4b:s6+s31], $0x2710, $0x38;
	[tilespmem:$0x7680] =	vst v63  }
0x40: {  	_ =	swait.ge [sflag:s9], $0x2710  }
0x41: {  	[sflag:s9] =	ssyncset.done $0x0  }
0x42: {  	s13 =	simm.s32 $0x0;
	[sflag:s9] =	ssyncadd.s32 $0xFFFFD8F0  }
0x43: {  	v0 =	vld [tilespmem:s13+$0x2780];
	_ =	sdelay $0x6  }
0x44: {  	v1 =	vld [tilespmem:s13+$0x2790]  }
0x45: {  	v0 =	vld.idx.msk [tilespmem:v0+s3+$0x0], $0xffff;
	_ =	sdelay $0x4  }
0x46: {  	[tilespmem:s13+$0x4F00] =	vst v0;
	v0 =	vld [tilespmem:s13+$0x27A0];
	_ =	sdelay $0x1  }
0x47: {  	v1 =	vld.idx.msk [tilespmem:v1+s3+$0x0], $0xffff;
	_ =	sdelay $0x4  }
0x48: {  	[tilespmem:s13+$0x4F10] =	vst v1;
	v1 =	vld [tilespmem:s13+$0x27B0]  }
0x49: {  	v0 =	vld.idx.msk [tilespmem:v0+s3+$0x0], $0xffff;
	_ =	sdelay $0x4  }
0x4a: {  	[tilespmem:s13+$0x4F20] =	vst v0;
	v0 =	vld [tilespmem:s13+$0x27C0];
	_ =	sdelay $0x1  }
0x4b: {  	v1 =	vld.idx.msk [tilespmem:v1+s3+$0x0], $0xffff;
	_ =	sdelay $0x3  }
0x4c: {  	s14 =	simm.s32 $0x280;
	s15 =	simm.s32 $0x50  }
.LBB2_4:
0x4d: {  	p0 =	sne.s32 s14, $0x9B00;
	v2 =	vld [tilespmem:s15+$0x2780];
	[tilespmem:s13+$0x4F30] =	vst v1  }
0x4e: {  	v0 =	vld.idx.msk [tilespmem:v0+s3+$0x0], $0xffff;
	_ =	sdelay $0x5  }
0x4f: {  	v1 =	vld [tilespmem:s15+$0x2790];
	[tilespmem:s13+$0x4F40] =	vst v0;
	s13 =	smov.u32 s15  }
0x50: {  	v0 =	vld.idx.msk [tilespmem:v2+s3+$0x0], $0xffff;
	_ =	sdelay $0x5  }
0x51: {  	[tilespmem:s13+$0x4F00] =	vst v0;
	v0 =	vld [tilespmem:s13+$0x27A0]  }
0x52: {  	v1 =	vld.idx.msk [tilespmem:v1+s3+$0x0], $0xffff;
	_ =	sdelay $0x5  }
0x53: {  	[tilespmem:s13+$0x4F10] =	vst v1;
	v1 =	vld [tilespmem:s13+$0x27B0]  }
0x54: {  	v0 =	vld.idx.msk [tilespmem:v0+s3+$0x0], $0xffff;
	_ =	sdelay $0x5  }
0x55: {  	[tilespmem:s13+$0x4F20] =	vst v0;
	v0 =	vld [tilespmem:s13+$0x27C0]  }
0x56: {  	v1 =	vld.idx.msk [tilespmem:v1+s3+$0x0], $0xffff  }
.Ltmp1:
0x57: {  	(pc) =	sbr.rel @p0 .LBB2_4-.Ltmp1, $2  }
0x58: {  	_ =	sdelay $0x2  }
0x59: {  	s15 =	sshra.s32 s14, $0x2;
	s14 =	sadd.s32 $0x140, s14  }
0x5a: {  	_ =	sdelay $0x1  }
0x5b: {  	v2 =	vld [tilespmem:s15+$0x2780]  }
0x5c: {  	[tilespmem:s13+$0x4F30] =	vst v1  }
0x5d: {  	v0 =	vld.idx.msk [tilespmem:v0+s3+$0x0], $0xffff;
	_ =	sdelay $0x3  }
0x5e: {  	v1 =	vld [tilespmem:s15+$0x2790]  }
0x5f: {  	[tilespmem:s13+$0x4F40] =	vst v0  }
0x60: {  	v0 =	vld.idx.msk [tilespmem:v2+s3+$0x0], $0xffff;
	_ =	sdelay $0x3  }
0x61: {  	v61 =	vld [tilespmem:s15+$0x27A0]  }
0x62: {  	[tilespmem:s15+$0x4F00] =	vst v0  }
0x63: {  	v1 =	vld.idx.msk [tilespmem:v1+s3+$0x0], $0xffff;
	_ =	sdelay $0x3  }
0x64: {  	v62 =	vld [tilespmem:s15+$0x27B0]  }
0x65: {  	[tilespmem:s15+$0x4F10] =	vst v1  }
0x66: {  	v0 =	vld.idx.msk [tilespmem:v61+s3+$0x0], $0xffff;
	_ =	sdelay $0x3  }
0x67: {  	v63 =	vld [tilespmem:s15+$0x27C0]  }
0x68: {  	[tilespmem:s15+$0x4F20] =	vst v0  }
0x69: {  	v1 =	vld.idx.msk [tilespmem:v62+s3+$0x0], $0xffff;
	_ =	sdelay $0x4  }
0x6a: {  	[tilespmem:s15+$0x4F30] =	vst v1  }
0x6b: {  	v0 =	vld.idx.msk [tilespmem:v63+s3+$0x0], $0xffff;
	_ =	sdelay $0x2  }
0x6c: {  	s12 =	sadd.s32 $0x1, s12  }
0x6d: {  	p0 =	sne.s32 s12, s8  }
.Ltmp2:
0x6e: {  	[tilespmem:s15+$0x4F40] =	vst v0;
	(pc) =	sbr.rel @p0 .LBB2_1-.Ltmp2, $4  }
0x6f: {  	[hbm4b:s7+s3] =	stream.linear.scatter [tilespmem:s11], [sflag:$0x1], $0x2710, $0x38;
	[tilespmem:$0x7680] =	vst v63  }
0x70: {  	_ =	swait.ge [sflag:s9], $0x2710  }
0x71: {  	[sflag:s9] =	ssyncset.done $0x0  }
0x72: {  	[sflag:s9] =	ssyncadd.s32 $0xFFFFD8F0  }
0x73: {  	_ =	sfence.sel $0x180000  }
0x74: {  	[bflag:$0x0] =	sbarrier.arrive $0xFFFF  }
0x75: {  	p0 =	sne.s32 s1, $0x0;
	_ =	strace $0x90000047  }
0x76: {  	s0 =	sadd.s32 @!p0 $0x100000, s2;
	[bflag:$0x2] =	sbarrier.arrive $0xFFFF  }
0x77: {  	[sflag:s0] =	ssyncadd.tile.s32 @!p0 $0x1;
	_ =	shalt  }
.Lfunc_end2:
_tile_overlayer_lowered:
.L_overlay_start_2:
0x78: {  	(tag) =	ssettag $0x2  }
0x79: {  	s0 =	rddreg [dreg:$0x0];
	s2 =	stileid.u32  }
0x7a: {  	s1 =	rddreg [dreg:$0x1];
	p0 =	sne.s32 s2, $0x0  }
0x7b: {  	s3 =	rddreg [dreg:$0x2];
	[bflag:$0x3] =	sbarrier.arrive $0xFFFF;
	s2 =	simm.s32 @!p0 $0x1C01  }
0x7c: {  	[timem:s3], [sflag:s2] =	dma.local @!p0 [hbm:s0], s1  }
0x7d: {  	s0 =	simm.s32 @!p0 $0x1  }
0x7e: {  	_ =	swait.ge @!p0 [sflag:s0], s1  }
0x7f: {  	s1 =	ssub.s32 @!p0 $0x0, s1;
	[sflag:s0] =	ssyncset.done @!p0 $0x0  }
0x80: {  	[sflag:s0] =	ssyncadd.s32 @!p0 s1  }
0x81: {  	[bflag:$0x3] =	sbarrier.arrive $0xFFFF  }
0x82: {  	_ =	shalt  }

</sc_bundles>
